<compile_context>
chip_gen: v7x
topology: tpu7x:2x2x1
jax: 0.10.2.dev20260603
libtpu: 0.0.44.dev20260713+nightly
codegen_flags: <defaults>
</compile_context>

<pallas_src>
import functools

import jax
import jax.numpy as jnp
from jax import lax
from jax.experimental import pallas as pl
from jax.experimental.pallas import tpu as pltpu
from jax.experimental.pallas import tpu_sc as plsc

VOCAB = 1000000
EMBED = 32
BATCH = 16384

SLAB = 128
LAST_TILE = (VOCAB // SLAB) * SLAB
LAST_W = VOCAB - LAST_TILE
MAX_RC = LAST_TILE - SLAB
RING = 8

_info = plsc.get_sparse_core_info()
_NC, _NS, _L = _info.num_cores, _info.num_subcores, _info.num_lanes
_NW = _NC * _NS
_B_PER_W = BATCH // _NW


def _make_kernel():
  mesh = plsc.VectorSubcoreMesh(core_axis_name="c", subcore_axis_name="s")

  @functools.partial(
      pl.kernel,
      mesh=mesh,
      out_type=jax.ShapeDtypeStruct((EMBED, BATCH), jnp.float32),
      compiler_params=pltpu.CompilerParams(needs_layout_passes=False),
      scratch_types=[
          pltpu.VMEM((_B_PER_W + _L,), jnp.int32),
          pltpu.VMEM((RING, EMBED, SLAB), jnp.float32),
          pltpu.VMEM((EMBED, LAST_W), jnp.float32),
          pltpu.VMEM((EMBED, _B_PER_W), jnp.float32),
          pltpu.SemaphoreType.DMA((RING,)),
      ],
  )
  def gather_kernel(tT_hbm, idx_hbm, out_hbm, idx_v, slabs_v, last_v,
                    cols_v, sems):
    wid = lax.axis_index("s") * _NC + lax.axis_index("c")
    base = pl.multiple_of(wid * _B_PER_W, 128)
    pltpu.sync_copy(idx_hbm.at[pl.ds(base, _B_PER_W)],
                    idx_v.at[pl.ds(0, _B_PER_W)])
    pltpu.sync_copy(tT_hbm.at[:, pl.ds(LAST_TILE, LAST_W)], last_v)

    kvec0 = lax.iota(jnp.int32, _L)
    kvec1 = kvec0 + _L

    def read_idx(i):
      return idx_v[pl.ds(i, _L)][0]

    def rc_of(r):
      rc = lax.shift_left(lax.shift_right_logical(r, 7), 7)
      return pl.multiple_of(lax.min(rc, MAX_RC), 128)

    def issue(i, buf):
      r = read_idx(i)
      pltpu.async_copy(tT_hbm.at[:, pl.ds(rc_of(r), SLAB)],
                       slabs_v.at[buf], sems.at[buf])

    for j in range(RING):
      issue(j, j)

    def body(c, _):
      for j in range(RING):
        i = c * RING + j
        r = read_idx(i)
        pltpu.make_async_copy(tT_hbm.at[:, pl.ds(0, SLAB)],
                              slabs_v.at[j], sems.at[j]).wait()
        iv = jnp.full((_L,), 0, jnp.int32) + i

        @pl.when(r < LAST_TILE)
        def _():
          colv = jnp.full((_L,), 0, jnp.int32) + (r - rc_of(r))
          v0 = plsc.load_gather(slabs_v.at[j], [kvec0, colv])
          v1 = plsc.load_gather(slabs_v.at[j], [kvec1, colv])
          plsc.store_scatter(cols_v, [kvec0, iv], v0)
          plsc.store_scatter(cols_v, [kvec1, iv], v1)

        @pl.when(r >= LAST_TILE)
        def _():
          cv = jnp.full((_L,), 0, jnp.int32) + (r - LAST_TILE)
          v0 = plsc.load_gather(last_v, [kvec0, cv])
          v1 = plsc.load_gather(last_v, [kvec1, cv])
          plsc.store_scatter(cols_v, [kvec0, iv], v0)
          plsc.store_scatter(cols_v, [kvec1, iv], v1)

        nxt = i + RING

        @pl.when(nxt < _B_PER_W)
        def _():
          issue(nxt, j)
      return ()

    lax.fori_loop(0, _B_PER_W // RING, body, ())
    pltpu.sync_copy(cols_v, out_hbm.at[:, pl.ds(base, _B_PER_W)])

  return gather_kernel


_gather = _make_kernel()


@jax.jit
def kernel(data, table):
  outT = _gather(table.T, data.astype(jnp.int32))
  return outT.T

# --- scband reference (transcript-rebuilt; emitter-appended) ---
"""Pipeline reference for scband-word2-vec-4561255269196 (READ-ONLY COPY).

The authoritative reference and input builder live on the scoring server;
editing this copy changes nothing except your own understanding.
"""

import jax, jax.numpy as jnp
import numpy as np

VOCAB = 1000000
EMBED = 32
BATCH = 16384

def setup_inputs(seed: int = 0) -> dict:
    key = jax.random.key(seed)
    k1, k2 = jax.random.split(key)
    data = jax.random.randint(k1, (BATCH,), 0, VOCAB, dtype=jnp.int64 if jax.config.jax_enable_x64 else jnp.int32)
    table = jax.random.normal(k2, (VOCAB, EMBED), dtype=jnp.float32) * 0.02
    return {"data": data, "table": table}

def reference(data, table):
    # Word2Vec.forward: embedding lookup of a batch of ids
    return jnp.take(table, data, axis=0)

if __name__ == "__main__":
    import jax
    _d = setup_inputs()
    print(jax.jit(kernel)(*tuple(_d.values())))

</pallas_src>

<mosaic_0001>
#map = affine_map<(d0, d1) -> (0, 0)>
#map1 = affine_map<(d0, d1) -> (0)>
module attributes {stable_mosaic.version = 14 : i64} {
  func.func @gather_kernel(%arg0: i32, %arg1: i32, %arg2: memref<32x1000000xf32, #tpu.memory_space<hbm>>, %arg3: memref<16384xi32, #tpu.memory_space<hbm>>, %arg4: memref<32x16384xf32, #tpu.memory_space<hbm>>, %arg5: memref<528xi32, #tpu.memory_space<vmem>>, %arg6: memref<8x32x128xf32, #tpu.memory_space<vmem>>, %arg7: memref<32x64xf32, #tpu.memory_space<vmem>>, %arg8: memref<32x512xf32, #tpu.memory_space<vmem>>, %arg9: memref<8x!tpu.dma_semaphore, #tpu.memory_space<semaphore_mem>>) attributes {dimension_semantics = [#tpu.dimension_semantics<core_parallel>, #tpu.dimension_semantics<subcore_parallel>], iteration_bounds = array<i64: 2, 16>, scalar_prefetch = 0 : i64, scratch_operands = 5 : i64, tpu.core_type = #tpu.core_type<sc_vector_subcore>, window_params = [{transform_indices = #map}, {transform_indices = #map1}, {transform_indices = #map}]} {
    %mul3A = arith.constant 2 : i32
    %mul3A_0 = arith.muli %arg1, %mul3A : i32
    %add3A = arith.addi %mul3A_0, %arg0 : i32
    %mul3A_1 = arith.constant 512 : i32
    %mul3A_2 = arith.muli %add3A, %mul3A_1 : i32
    %multiple_of3A = tpu.assume_multiple %mul3A_2, 128 : i32
    "tpu.region"() ({
      %run_scoped3A = tpu.sem_alloc : memref<!tpu.dma_semaphore, #tpu.memory_space<semaphore_mem>>
      %dma_start3A_219 = arith.constant 0 : i32
      %dma_start3A_220 = tpu.memref_slice %arg5[%dma_start3A_219] : memref<528xi32, #tpu.memory_space<vmem>> -> memref<512xi32, #tpu.memory_space<vmem>>
      %dma_start3A_221 = tpu.memref_slice %arg3[%multiple_of3A] : memref<16384xi32, #tpu.memory_space<hbm>> -> memref<512xi32, #tpu.memory_space<hbm>>
      %dma_start3A_222 = arith.constant 0 : i32
      %dma_start3A_223 = tpu.memref_slice %arg5[%dma_start3A_222] : memref<528xi32, #tpu.memory_space<vmem>> -> memref<512xi32, #tpu.memory_space<vmem>>
      %dma_start3A_224 = tpu.memref_slice %arg3[%multiple_of3A] : memref<16384xi32, #tpu.memory_space<hbm>> -> memref<512xi32, #tpu.memory_space<hbm>>
      tpu.enqueue_dma source(%dma_start3A_224 : memref<512xi32, #tpu.memory_space<hbm>>) target(%dma_start3A_223 : memref<512xi32, #tpu.memory_space<vmem>>) target_semaphore(%run_scoped3A : memref<!tpu.dma_semaphore, #tpu.memory_space<semaphore_mem>>)
      %dma_wait3A = arith.constant 0 : i32
      %dma_wait3A_225 = tpu.memref_slice %arg5[%dma_wait3A] : memref<528xi32, #tpu.memory_space<vmem>> -> memref<512xi32, #tpu.memory_space<vmem>>
      %dma_wait3A_226 = tpu.memref_slice %arg3[%multiple_of3A] : memref<16384xi32, #tpu.memory_space<hbm>> -> memref<512xi32, #tpu.memory_space<hbm>>
      %dma_wait3A_227 = arith.constant 0 : i32
      %dma_wait3A_228 = tpu.memref_slice %arg5[%dma_wait3A_227] : memref<528xi32, #tpu.memory_space<vmem>> -> memref<512xi32, #tpu.memory_space<vmem>>
      %dma_wait3A_229 = tpu.memref_slice %arg3[%multiple_of3A] : memref<16384xi32, #tpu.memory_space<hbm>> -> memref<512xi32, #tpu.memory_space<hbm>>
      tpu.wait_dma2 semaphore(%run_scoped3A : memref<!tpu.dma_semaphore, #tpu.memory_space<semaphore_mem>>) src(%dma_wait3A_229 : memref<512xi32, #tpu.memory_space<hbm>>) dst(%dma_wait3A_228 : memref<512xi32, #tpu.memory_space<vmem>>)
      tpu.yield
    }) : () -> ()
    "tpu.region"() ({
      %run_scoped3A = tpu.sem_alloc : memref<!tpu.dma_semaphore, #tpu.memory_space<semaphore_mem>>
      %dma_start3A_219 = arith.constant 0 : i32
      %dma_start3A_220 = arith.constant 999936 : i32
      %dma_start3A_221 = tpu.memref_slice %arg2[%dma_start3A_219, %dma_start3A_220] : memref<32x1000000xf32, #tpu.memory_space<hbm>> -> memref<32x64xf32, #tpu.memory_space<hbm>>
      %dma_start3A_222 = arith.constant 0 : i32
      %dma_start3A_223 = arith.constant 999936 : i32
      %dma_start3A_224 = tpu.memref_slice %arg2[%dma_start3A_222, %dma_start3A_223] : memref<32x1000000xf32, #tpu.memory_space<hbm>> -> memref<32x64xf32, #tpu.memory_space<hbm>>
      tpu.enqueue_dma source(%dma_start3A_224 : memref<32x64xf32, #tpu.memory_space<hbm>>) target(%arg7 : memref<32x64xf32, #tpu.memory_space<vmem>>) target_semaphore(%run_scoped3A : memref<!tpu.dma_semaphore, #tpu.memory_space<semaphore_mem>>)
      %dma_wait3A = arith.constant 0 : i32
      %dma_wait3A_225 = arith.constant 999936 : i32
      %dma_wait3A_226 = tpu.memref_slice %arg2[%dma_wait3A, %dma_wait3A_225] : memref<32x1000000xf32, #tpu.memory_space<hbm>> -> memref<32x64xf32, #tpu.memory_space<hbm>>
      %dma_wait3A_227 = arith.constant 0 : i32
      %dma_wait3A_228 = arith.constant 999936 : i32
      %dma_wait3A_229 = tpu.memref_slice %arg2[%dma_wait3A_227, %dma_wait3A_228] : memref<32x1000000xf32, #tpu.memory_space<hbm>> -> memref<32x64xf32, #tpu.memory_space<hbm>>
      tpu.wait_dma2 semaphore(%run_scoped3A : memref<!tpu.dma_semaphore, #tpu.memory_space<semaphore_mem>>) src(%dma_wait3A_229 : memref<32x64xf32, #tpu.memory_space<hbm>>) dst(%arg7 : memref<32x64xf32, #tpu.memory_space<vmem>>)
      tpu.yield
    }) : () -> ()
    %iota3A = tpu.iota {dimensions = array<i32: 0>} : vector<16xi32>
    %add3A_3 = arith.constant 16 : i32
    %add3A_4 = vector.broadcast %add3A_3 : i32 to vector<16xi32>
    %add3A_5 = arith.addi %iota3A, %add3A_4 : vector<16xi32>
    %get3A = arith.constant 0 : index
    %get3A_6 = tpu.vector_load %arg5[%get3A] {strides = array<i32>} : memref<528xi32, #tpu.memory_space<vmem>>, vector<16xi32>,
    %slice3A = vector.extract_strided_slice %get3A_6 {offsets = [0], sizes = [1], strides = [1]} : vector<16xi32> to vector<1xi32>
    %squeeze3A = vector.extract %slice3A[0] : i32 from vector<1xi32>
    %shift_right_logical3A = arith.constant 7 : i32
    %shift_right_logical3A_7 = arith.shrui %squeeze3A, %shift_right_logical3A : i32
    %shift_left3A = arith.constant 7 : i32
    %shift_left3A_8 = arith.shli %shift_right_logical3A_7, %shift_left3A : i32
    %min3A = arith.constant 999808 : i32
    %min3A_9 = arith.minsi %shift_left3A_8, %min3A : i32
    %multiple_of3A_10 = tpu.assume_multiple %min3A_9, 128 : i32
    %dma_start3A = arith.constant 0 : i32
    %dma_start3A_11 = arith.constant 0 : i32
    %dma_start3A_12 = arith.constant 0 : i32
    %dma_start3A_13 = arith.constant 0 : i32
    %dma_start3A_14 = tpu.memref_slice %arg6[%dma_start3A, %dma_start3A_12, %dma_start3A_13] : memref<8x32x128xf32, #tpu.memory_space<vmem>> -> memref<1x32x128xf32, #tpu.memory_space<vmem>>
    %dma_start3A_15 = tpu.memref_squeeze %dma_start3A_14 : memref<1x32x128xf32, #tpu.memory_space<vmem>> -> memref<32x128xf32, #tpu.memory_space<vmem>>
    %dma_start3A_16 = arith.constant 0 : i32
    %dma_start3A_17 = tpu.memref_slice %arg2[%dma_start3A_16, %multiple_of3A_10] : memref<32x1000000xf32, #tpu.memory_space<hbm>> -> memref<32x128xf32, #tpu.memory_space<hbm>>
    %dma_start3A_18 = tpu.memref_slice %arg9[%dma_start3A_11] : memref<8x!tpu.dma_semaphore, #tpu.memory_space<semaphore_mem>> -> memref<1x!tpu.dma_semaphore, #tpu.memory_space<semaphore_mem>>
    %dma_start3A_19 = tpu.memref_squeeze %dma_start3A_18 : memref<1x!tpu.dma_semaphore, #tpu.memory_space<semaphore_mem>> -> memref<!tpu.dma_semaphore, #tpu.memory_space<semaphore_mem>>
    %dma_start3A_20 = arith.constant 0 : i32
    %dma_start3A_21 = arith.constant 0 : i32
    %dma_start3A_22 = tpu.memref_slice %arg6[%dma_start3A, %dma_start3A_20, %dma_start3A_21] : memref<8x32x128xf32, #tpu.memory_space<vmem>> -> memref<1x32x128xf32, #tpu.memory_space<vmem>>
    %dma_start3A_23 = tpu.memref_squeeze %dma_start3A_22 : memref<1x32x128xf32, #tpu.memory_space<vmem>> -> memref<32x128xf32, #tpu.memory_space<vmem>>
    %dma_start3A_24 = arith.constant 0 : i32
    %dma_start3A_25 = tpu.memref_slice %arg2[%dma_start3A_24, %multiple_of3A_10] : memref<32x1000000xf32, #tpu.memory_space<hbm>> -> memref<32x128xf32, #tpu.memory_space<hbm>>
    tpu.enqueue_dma source(%dma_start3A_25 : memref<32x128xf32, #tpu.memory_space<hbm>>) target(%dma_start3A_23 : memref<32x128xf32, #tpu.memory_space<vmem>>) target_semaphore(%dma_start3A_19 : memref<!tpu.dma_semaphore, #tpu.memory_space<semaphore_mem>>)
    %get3A_26 = arith.constant 1 : index
    %get3A_27 = tpu.vector_load %arg5[%get3A_26] {strides = array<i32>} : memref<528xi32, #tpu.memory_space<vmem>>, vector<16xi32>,
    %slice3A_28 = vector.extract_strided_slice %get3A_27 {offsets = [0], sizes = [1], strides = [1]} : vector<16xi32> to vector<1xi32>
    %squeeze3A_29 = vector.extract %slice3A_28[0] : i32 from vector<1xi32>
    %shift_right_logical3A_30 = arith.constant 7 : i32
    %shift_right_logical3A_31 = arith.shrui %squeeze3A_29, %shift_right_logical3A_30 : i32
    %shift_left3A_32 = arith.constant 7 : i32
    %shift_left3A_33 = arith.shli %shift_right_logical3A_31, %shift_left3A_32 : i32
    %min3A_34 = arith.constant 999808 : i32
    %min3A_35 = arith.minsi %shift_left3A_33, %min3A_34 : i32
    %multiple_of3A_36 = tpu.assume_multiple %min3A_35, 128 : i32
    %dma_start3A_37 = arith.constant 1 : i32
    %dma_start3A_38 = arith.constant 1 : i32
    %dma_start3A_39 = arith.constant 0 : i32
    %dma_start3A_40 = arith.constant 0 : i32
    %dma_start3A_41 = tpu.memref_slice %arg6[%dma_start3A_37, %dma_start3A_39, %dma_start3A_40] : memref<8x32x128xf32, #tpu.memory_space<vmem>> -> memref<1x32x128xf32, #tpu.memory_space<vmem>>
    %dma_start3A_42 = tpu.memref_squeeze %dma_start3A_41 : memref<1x32x128xf32, #tpu.memory_space<vmem>> -> memref<32x128xf32, #tpu.memory_space<vmem>>
    %dma_start3A_43 = arith.constant 0 : i32
    %dma_start3A_44 = tpu.memref_slice %arg2[%dma_start3A_43, %multiple_of3A_36] : memref<32x1000000xf32, #tpu.memory_space<hbm>> -> memref<32x128xf32, #tpu.memory_space<hbm>>
    %dma_start3A_45 = tpu.memref_slice %arg9[%dma_start3A_38] : memref<8x!tpu.dma_semaphore, #tpu.memory_space<semaphore_mem>> -> memref<1x!tpu.dma_semaphore, #tpu.memory_space<semaphore_mem>>
    %dma_start3A_46 = tpu.memref_squeeze %dma_start3A_45 : memref<1x!tpu.dma_semaphore, #tpu.memory_space<semaphore_mem>> -> memref<!tpu.dma_semaphore, #tpu.memory_space<semaphore_mem>>
    %dma_start3A_47 = arith.constant 0 : i32
    %dma_start3A_48 = arith.constant 0 : i32
    %dma_start3A_49 = tpu.memref_slice %arg6[%dma_start3A_37, %dma_start3A_47, %dma_start3A_48] : memref<8x32x128xf32, #tpu.memory_space<vmem>> -> memref<1x32x128xf32, #tpu.memory_space<vmem>>
    %dma_start3A_50 = tpu.memref_squeeze %dma_start3A_49 : memref<1x32x128xf32, #tpu.memory_space<vmem>> -> memref<32x128xf32, #tpu.memory_space<vmem>>
    %dma_start3A_51 = arith.constant 0 : i32
    %dma_start3A_52 = tpu.memref_slice %arg2[%dma_start3A_51, %multiple_of3A_36] : memref<32x1000000xf32, #tpu.memory_space<hbm>> -> memref<32x128xf32, #tpu.memory_space<hbm>>
    tpu.enqueue_dma source(%dma_start3A_52 : memref<32x128xf32, #tpu.memory_space<hbm>>) target(%dma_start3A_50 : memref<32x128xf32, #tpu.memory_space<vmem>>) target_semaphore(%dma_start3A_46 : memref<!tpu.dma_semaphore, #tpu.memory_space<semaphore_mem>>)
    %get3A_53 = arith.constant 2 : index
    %get3A_54 = tpu.vector_load %arg5[%get3A_53] {strides = array<i32>} : memref<528xi32, #tpu.memory_space<vmem>>, vector<16xi32>,
    %slice3A_55 = vector.extract_strided_slice %get3A_54 {offsets = [0], sizes = [1], strides = [1]} : vector<16xi32> to vector<1xi32>
    %squeeze3A_56 = vector.extract %slice3A_55[0] : i32 from vector<1xi32>
    %shift_right_logical3A_57 = arith.constant 7 : i32
    %shift_right_logical3A_58 = arith.shrui %squeeze3A_56, %shift_right_logical3A_57 : i32
    %shift_left3A_59 = arith.constant 7 : i32
    %shift_left3A_60 = arith.shli %shift_right_logical3A_58, %shift_left3A_59 : i32
    %min3A_61 = arith.constant 999808 : i32
    %min3A_62 = arith.minsi %shift_left3A_60, %min3A_61 : i32
    %multiple_of3A_63 = tpu.assume_multiple %min3A_62, 128 : i32
    %dma_start3A_64 = arith.constant 2 : i32
    %dma_start3A_65 = arith.constant 2 : i32
    %dma_start3A_66 = arith.constant 0 : i32
    %dma_start3A_67 = arith.constant 0 : i32
    %dma_start3A_68 = tpu.memref_slice %arg6[%dma_start3A_64, %dma_start3A_66, %dma_start3A_67] : memref<8x32x128xf32, #tpu.memory_space<vmem>> -> memref<1x32x128xf32, #tpu.memory_space<vmem>>
    %dma_start3A_69 = tpu.memref_squeeze %dma_start3A_68 : memref<1x32x128xf32, #tpu.memory_space<vmem>> -> memref<32x128xf32, #tpu.memory_space<vmem>>
    %dma_start3A_70 = arith.constant 0 : i32
    %dma_start3A_71 = tpu.memref_slice %arg2[%dma_start3A_70, %multiple_of3A_63] : memref<32x1000000xf32, #tpu.memory_space<hbm>> -> memref<32x128xf32, #tpu.memory_space<hbm>>
    %dma_start3A_72 = tpu.memref_slice %arg9[%dma_start3A_65] : memref<8x!tpu.dma_semaphore, #tpu.memory_space<semaphore_mem>> -> memref<1x!tpu.dma_semaphore, #tpu.memory_space<semaphore_mem>>
    %dma_start3A_73 = tpu.memref_squeeze %dma_start3A_72 : memref<1x!tpu.dma_semaphore, #tpu.memory_space<semaphore_mem>> -> memref<!tpu.dma_semaphore, #tpu.memory_space<semaphore_mem>>
    %dma_start3A_74 = arith.constant 0 : i32
    %dma_start3A_75 = arith.constant 0 : i32
    %dma_start3A_76 = tpu.memref_slice %arg6[%dma_start3A_64, %dma_start3A_74, %dma_start3A_75] : memref<8x32x128xf32, #tpu.memory_space<vmem>> -> memref<1x32x128xf32, #tpu.memory_space<vmem>>
    %dma_start3A_77 = tpu.memref_squeeze %dma_start3A_76 : memref<1x32x128xf32, #tpu.memory_space<vmem>> -> memref<32x128xf32, #tpu.memory_space<vmem>>
    %dma_start3A_78 = arith.constant 0 : i32
    %dma_start3A_79 = tpu.memref_slice %arg2[%dma_start3A_78, %multiple_of3A_63] : memref<32x1000000xf32, #tpu.memory_space<hbm>> -> memref<32x128xf32, #tpu.memory_space<hbm>>
    tpu.enqueue_dma source(%dma_start3A_79 : memref<32x128xf32, #tpu.memory_space<hbm>>) target(%dma_start3A_77 : memref<32x128xf32, #tpu.memory_space<vmem>>) target_semaphore(%dma_start3A_73 : memref<!tpu.dma_semaphore, #tpu.memory_space<semaphore_mem>>)
    %get3A_80 = arith.constant 3 : index
    %get3A_81 = tpu.vector_load %arg5[%get3A_80] {strides = array<i32>} : memref<528xi32, #tpu.memory_space<vmem>>, vector<16xi32>,
    %slice3A_82 = vector.extract_strided_slice %get3A_81 {offsets = [0], sizes = [1], strides = [1]} : vector<16xi32> to vector<1xi32>
    %squeeze3A_83 = vector.extract %slice3A_82[0] : i32 from vector<1xi32>
    %shift_right_logical3A_84 = arith.constant 7 : i32
    %shift_right_logical3A_85 = arith.shrui %squeeze3A_83, %shift_right_logical3A_84 : i32
    %shift_left3A_86 = arith.constant 7 : i32
    %shift_left3A_87 = arith.shli %shift_right_logical3A_85, %shift_left3A_86 : i32
    %min3A_88 = arith.constant 999808 : i32
    %min3A_89 = arith.minsi %shift_left3A_87, %min3A_88 : i32
    %multiple_of3A_90 = tpu.assume_multiple %min3A_89, 128 : i32
    %dma_start3A_91 = arith.constant 3 : i32
    %dma_start3A_92 = arith.constant 3 : i32
    %dma_start3A_93 = arith.constant 0 : i32
    %dma_start3A_94 = arith.constant 0 : i32
    %dma_start3A_95 = tpu.memref_slice %arg6[%dma_start3A_91, %dma_start3A_93, %dma_start3A_94] : memref<8x32x128xf32, #tpu.memory_space<vmem>> -> memref<1x32x128xf32, #tpu.memory_space<vmem>>
    %dma_start3A_96 = tpu.memref_squeeze %dma_start3A_95 : memref<1x32x128xf32, #tpu.memory_space<vmem>> -> memref<32x128xf32, #tpu.memory_space<vmem>>
    %dma_start3A_97 = arith.constant 0 : i32
    %dma_start3A_98 = tpu.memref_slice %arg2[%dma_start3A_97, %multiple_of3A_90] : memref<32x1000000xf32, #tpu.memory_space<hbm>> -> memref<32x128xf32, #tpu.memory_space<hbm>>
    %dma_start3A_99 = tpu.memref_slice %arg9[%dma_start3A_92] : memref<8x!tpu.dma_semaphore, #tpu.memory_space<semaphore_mem>> -> memref<1x!tpu.dma_semaphore, #tpu.memory_space<semaphore_mem>>
    %dma_start3A_100 = tpu.memref_squeeze %dma_start3A_99 : memref<1x!tpu.dma_semaphore, #tpu.memory_space<semaphore_mem>> -> memref<!tpu.dma_semaphore, #tpu.memory_space<semaphore_mem>>
    %dma_start3A_101 = arith.constant 0 : i32
    %dma_start3A_102 = arith.constant 0 : i32
    %dma_start3A_103 = tpu.memref_slice %arg6[%dma_start3A_91, %dma_start3A_101, %dma_start3A_102] : memref<8x32x128xf32, #tpu.memory_space<vmem>> -> memref<1x32x128xf32, #tpu.memory_space<vmem>>
    %dma_start3A_104 = tpu.memref_squeeze %dma_start3A_103 : memref<1x32x128xf32, #tpu.memory_space<vmem>> -> memref<32x128xf32, #tpu.memory_space<vmem>>
    %dma_start3A_105 = arith.constant 0 : i32
    %dma_start3A_106 = tpu.memref_slice %arg2[%dma_start3A_105, %multiple_of3A_90] : memref<32x1000000xf32, #tpu.memory_space<hbm>> -> memref<32x128xf32, #tpu.memory_space<hbm>>
    tpu.enqueue_dma source(%dma_start3A_106 : memref<32x128xf32, #tpu.memory_space<hbm>>) target(%dma_start3A_104 : memref<32x128xf32, #tpu.memory_space<vmem>>) target_semaphore(%dma_start3A_100 : memref<!tpu.dma_semaphore, #tpu.memory_space<semaphore_mem>>)
    %get3A_107 = arith.constant 4 : index
    %get3A_108 = tpu.vector_load %arg5[%get3A_107] {strides = array<i32>} : memref<528xi32, #tpu.memory_space<vmem>>, vector<16xi32>,
    %slice3A_109 = vector.extract_strided_slice %get3A_108 {offsets = [0], sizes = [1], strides = [1]} : vector<16xi32> to vector<1xi32>
    %squeeze3A_110 = vector.extract %slice3A_109[0] : i32 from vector<1xi32>
    %shift_right_logical3A_111 = arith.constant 7 : i32
    %shift_right_logical3A_112 = arith.shrui %squeeze3A_110, %shift_right_logical3A_111 : i32
    %shift_left3A_113 = arith.constant 7 : i32
    %shift_left3A_114 = arith.shli %shift_right_logical3A_112, %shift_left3A_113 : i32
    %min3A_115 = arith.constant 999808 : i32
    %min3A_116 = arith.minsi %shift_left3A_114, %min3A_115 : i32
    %multiple_of3A_117 = tpu.assume_multiple %min3A_116, 128 : i32
    %dma_start3A_118 = arith.constant 4 : i32
    %dma_start3A_119 = arith.constant 4 : i32
    %dma_start3A_120 = arith.constant 0 : i32
    %dma_start3A_121 = arith.constant 0 : i32
    %dma_start3A_122 = tpu.memref_slice %arg6[%dma_start3A_118, %dma_start3A_120, %dma_start3A_121] : memref<8x32x128xf32, #tpu.memory_space<vmem>> -> memref<1x32x128xf32, #tpu.memory_space<vmem>>
    %dma_start3A_123 = tpu.memref_squeeze %dma_start3A_122 : memref<1x32x128xf32, #tpu.memory_space<vmem>> -> memref<32x128xf32, #tpu.memory_space<vmem>>
    %dma_start3A_124 = arith.constant 0 : i32
    %dma_start3A_125 = tpu.memref_slice %arg2[%dma_start3A_124, %multiple_of3A_117] : memref<32x1000000xf32, #tpu.memory_space<hbm>> -> memref<32x128xf32, #tpu.memory_space<hbm>>
    %dma_start3A_126 = tpu.memref_slice %arg9[%dma_start3A_119] : memref<8x!tpu.dma_semaphore, #tpu.memory_space<semaphore_mem>> -> memref<1x!tpu.dma_semaphore, #tpu.memory_space<semaphore_mem>>
    %dma_start3A_127 = tpu.memref_squeeze %dma_start3A_126 : memref<1x!tpu.dma_semaphore, #tpu.memory_space<semaphore_mem>> -> memref<!tpu.dma_semaphore, #tpu.memory_space<semaphore_mem>>
    %dma_start3A_128 = arith.constant 0 : i32
    %dma_start3A_129 = arith.constant 0 : i32
    %dma_start3A_130 = tpu.memref_slice %arg6[%dma_start3A_118, %dma_start3A_128, %dma_start3A_129] : memref<8x32x128xf32, #tpu.memory_space<vmem>> -> memref<1x32x128xf32, #tpu.memory_space<vmem>>
    %dma_start3A_131 = tpu.memref_squeeze %dma_start3A_130 : memref<1x32x128xf32, #tpu.memory_space<vmem>> -> memref<32x128xf32, #tpu.memory_space<vmem>>
    %dma_start3A_132 = arith.constant 0 : i32
    %dma_start3A_133 = tpu.memref_slice %arg2[%dma_start3A_132, %multiple_of3A_117] : memref<32x1000000xf32, #tpu.memory_space<hbm>> -> memref<32x128xf32, #tpu.memory_space<hbm>>
    tpu.enqueue_dma source(%dma_start3A_133 : memref<32x128xf32, #tpu.memory_space<hbm>>) target(%dma_start3A_131 : memref<32x128xf32, #tpu.memory_space<vmem>>) target_semaphore(%dma_start3A_127 : memref<!tpu.dma_semaphore, #tpu.memory_space<semaphore_mem>>)
    %get3A_134 = arith.constant 5 : index
    %get3A_135 = tpu.vector_load %arg5[%get3A_134] {strides = array<i32>} : memref<528xi32, #tpu.memory_space<vmem>>, vector<16xi32>,
    %slice3A_136 = vector.extract_strided_slice %get3A_135 {offsets = [0], sizes = [1], strides = [1]} : vector<16xi32> to vector<1xi32>
    %squeeze3A_137 = vector.extract %slice3A_136[0] : i32 from vector<1xi32>
    %shift_right_logical3A_138 = arith.constant 7 : i32
    %shift_right_logical3A_139 = arith.shrui %squeeze3A_137, %shift_right_logical3A_138 : i32
    %shift_left3A_140 = arith.constant 7 : i32
    %shift_left3A_141 = arith.shli %shift_right_logical3A_139, %shift_left3A_140 : i32
    %min3A_142 = arith.constant 999808 : i32
    %min3A_143 = arith.minsi %shift_left3A_141, %min3A_142 : i32
    %multiple_of3A_144 = tpu.assume_multiple %min3A_143, 128 : i32
    %dma_start3A_145 = arith.constant 5 : i32
    %dma_start3A_146 = arith.constant 5 : i32
    %dma_start3A_147 = arith.constant 0 : i32
    %dma_start3A_148 = arith.constant 0 : i32
    %dma_start3A_149 = tpu.memref_slice %arg6[%dma_start3A_145, %dma_start3A_147, %dma_start3A_148] : memref<8x32x128xf32, #tpu.memory_space<vmem>> -> memref<1x32x128xf32, #tpu.memory_space<vmem>>
    %dma_start3A_150 = tpu.memref_squeeze %dma_start3A_149 : memref<1x32x128xf32, #tpu.memory_space<vmem>> -> memref<32x128xf32, #tpu.memory_space<vmem>>
    %dma_start3A_151 = arith.constant 0 : i32
    %dma_start3A_152 = tpu.memref_slice %arg2[%dma_start3A_151, %multiple_of3A_144] : memref<32x1000000xf32, #tpu.memory_space<hbm>> -> memref<32x128xf32, #tpu.memory_space<hbm>>
    %dma_start3A_153 = tpu.memref_slice %arg9[%dma_start3A_146] : memref<8x!tpu.dma_semaphore, #tpu.memory_space<semaphore_mem>> -> memref<1x!tpu.dma_semaphore, #tpu.memory_space<semaphore_mem>>
    %dma_start3A_154 = tpu.memref_squeeze %dma_start3A_153 : memref<1x!tpu.dma_semaphore, #tpu.memory_space<semaphore_mem>> -> memref<!tpu.dma_semaphore, #tpu.memory_space<semaphore_mem>>
    %dma_start3A_155 = arith.constant 0 : i32
    %dma_start3A_156 = arith.constant 0 : i32
    %dma_start3A_157 = tpu.memref_slice %arg6[%dma_start3A_145, %dma_start3A_155, %dma_start3A_156] : memref<8x32x128xf32, #tpu.memory_space<vmem>> -> memref<1x32x128xf32, #tpu.memory_space<vmem>>
    %dma_start3A_158 = tpu.memref_squeeze %dma_start3A_157 : memref<1x32x128xf32, #tpu.memory_space<vmem>> -> memref<32x128xf32, #tpu.memory_space<vmem>>
    %dma_start3A_159 = arith.constant 0 : i32
    %dma_start3A_160 = tpu.memref_slice %arg2[%dma_start3A_159, %multiple_of3A_144] : memref<32x1000000xf32, #tpu.memory_space<hbm>> -> memref<32x128xf32, #tpu.memory_space<hbm>>
    tpu.enqueue_dma source(%dma_start3A_160 : memref<32x128xf32, #tpu.memory_space<hbm>>) target(%dma_start3A_158 : memref<32x128xf32, #tpu.memory_space<vmem>>) target_semaphore(%dma_start3A_154 : memref<!tpu.dma_semaphore, #tpu.memory_space<semaphore_mem>>)
    %get3A_161 = arith.constant 6 : index
    %get3A_162 = tpu.vector_load %arg5[%get3A_161] {strides = array<i32>} : memref<528xi32, #tpu.memory_space<vmem>>, vector<16xi32>,
    %slice3A_163 = vector.extract_strided_slice %get3A_162 {offsets = [0], sizes = [1], strides = [1]} : vector<16xi32> to vector<1xi32>
    %squeeze3A_164 = vector.extract %slice3A_163[0] : i32 from vector<1xi32>
    %shift_right_logical3A_165 = arith.constant 7 : i32
    %shift_right_logical3A_166 = arith.shrui %squeeze3A_164, %shift_right_logical3A_165 : i32
    %shift_left3A_167 = arith.constant 7 : i32
    %shift_left3A_168 = arith.shli %shift_right_logical3A_166, %shift_left3A_167 : i32
    %min3A_169 = arith.constant 999808 : i32
    %min3A_170 = arith.minsi %shift_left3A_168, %min3A_169 : i32
    %multiple_of3A_171 = tpu.assume_multiple %min3A_170, 128 : i32
    %dma_start3A_172 = arith.constant 6 : i32
    %dma_start3A_173 = arith.constant 6 : i32
    %dma_start3A_174 = arith.constant 0 : i32
    %dma_start3A_175 = arith.constant 0 : i32
    %dma_start3A_176 = tpu.memref_slice %arg6[%dma_start3A_172, %dma_start3A_174, %dma_start3A_175] : memref<8x32x128xf32, #tpu.memory_space<vmem>> -> memref<1x32x128xf32, #tpu.memory_space<vmem>>
    %dma_start3A_177 = tpu.memref_squeeze %dma_start3A_176 : memref<1x32x128xf32, #tpu.memory_space<vmem>> -> memref<32x128xf32, #tpu.memory_space<vmem>>
    %dma_start3A_178 = arith.constant 0 : i32
    %dma_start3A_179 = tpu.memref_slice %arg2[%dma_start3A_178, %multiple_of3A_171] : memref<32x1000000xf32, #tpu.memory_space<hbm>> -> memref<32x128xf32, #tpu.memory_space<hbm>>
    %dma_start3A_180 = tpu.memref_slice %arg9[%dma_start3A_173] : memref<8x!tpu.dma_semaphore, #tpu.memory_space<semaphore_mem>> -> memref<1x!tpu.dma_semaphore, #tpu.memory_space<semaphore_mem>>
    %dma_start3A_181 = tpu.memref_squeeze %dma_start3A_180 : memref<1x!tpu.dma_semaphore, #tpu.memory_space<semaphore_mem>> -> memref<!tpu.dma_semaphore, #tpu.memory_space<semaphore_mem>>
    %dma_start3A_182 = arith.constant 0 : i32
    %dma_start3A_183 = arith.constant 0 : i32
    %dma_start3A_184 = tpu.memref_slice %arg6[%dma_start3A_172, %dma_start3A_182, %dma_start3A_183] : memref<8x32x128xf32, #tpu.memory_space<vmem>> -> memref<1x32x128xf32, #tpu.memory_space<vmem>>
    %dma_start3A_185 = tpu.memref_squeeze %dma_start3A_184 : memref<1x32x128xf32, #tpu.memory_space<vmem>> -> memref<32x128xf32, #tpu.memory_space<vmem>>
    %dma_start3A_186 = arith.constant 0 : i32
    %dma_start3A_187 = tpu.memref_slice %arg2[%dma_start3A_186, %multiple_of3A_171] : memref<32x1000000xf32, #tpu.memory_space<hbm>> -> memref<32x128xf32, #tpu.memory_space<hbm>>
    tpu.enqueue_dma source(%dma_start3A_187 : memref<32x128xf32, #tpu.memory_space<hbm>>) target(%dma_start3A_185 : memref<32x128xf32, #tpu.memory_space<vmem>>) target_semaphore(%dma_start3A_181 : memref<!tpu.dma_semaphore, #tpu.memory_space<semaphore_mem>>)
    %get3A_188 = arith.constant 7 : index
    %get3A_189 = tpu.vector_load %arg5[%get3A_188] {strides = array<i32>} : memref<528xi32, #tpu.memory_space<vmem>>, vector<16xi32>,
    %slice3A_190 = vector.extract_strided_slice %get3A_189 {offsets = [0], sizes = [1], strides = [1]} : vector<16xi32> to vector<1xi32>
    %squeeze3A_191 = vector.extract %slice3A_190[0] : i32 from vector<1xi32>
    %shift_right_logical3A_192 = arith.constant 7 : i32
    %shift_right_logical3A_193 = arith.shrui %squeeze3A_191, %shift_right_logical3A_192 : i32
    %shift_left3A_194 = arith.constant 7 : i32
    %shift_left3A_195 = arith.shli %shift_right_logical3A_193, %shift_left3A_194 : i32
    %min3A_196 = arith.constant 999808 : i32
    %min3A_197 = arith.minsi %shift_left3A_195, %min3A_196 : i32
    %multiple_of3A_198 = tpu.assume_multiple %min3A_197, 128 : i32
    %dma_start3A_199 = arith.constant 7 : i32
    %dma_start3A_200 = arith.constant 7 : i32
    %dma_start3A_201 = arith.constant 0 : i32
    %dma_start3A_202 = arith.constant 0 : i32
    %dma_start3A_203 = tpu.memref_slice %arg6[%dma_start3A_199, %dma_start3A_201, %dma_start3A_202] : memref<8x32x128xf32, #tpu.memory_space<vmem>> -> memref<1x32x128xf32, #tpu.memory_space<vmem>>
    %dma_start3A_204 = tpu.memref_squeeze %dma_start3A_203 : memref<1x32x128xf32, #tpu.memory_space<vmem>> -> memref<32x128xf32, #tpu.memory_space<vmem>>
    %dma_start3A_205 = arith.constant 0 : i32
    %dma_start3A_206 = tpu.memref_slice %arg2[%dma_start3A_205, %multiple_of3A_198] : memref<32x1000000xf32, #tpu.memory_space<hbm>> -> memref<32x128xf32, #tpu.memory_space<hbm>>
    %dma_start3A_207 = tpu.memref_slice %arg9[%dma_start3A_200] : memref<8x!tpu.dma_semaphore, #tpu.memory_space<semaphore_mem>> -> memref<1x!tpu.dma_semaphore, #tpu.memory_space<semaphore_mem>>
    %dma_start3A_208 = tpu.memref_squeeze %dma_start3A_207 : memref<1x!tpu.dma_semaphore, #tpu.memory_space<semaphore_mem>> -> memref<!tpu.dma_semaphore, #tpu.memory_space<semaphore_mem>>
    %dma_start3A_209 = arith.constant 0 : i32
    %dma_start3A_210 = arith.constant 0 : i32
    %dma_start3A_211 = tpu.memref_slice %arg6[%dma_start3A_199, %dma_start3A_209, %dma_start3A_210] : memref<8x32x128xf32, #tpu.memory_space<vmem>> -> memref<1x32x128xf32, #tpu.memory_space<vmem>>
    %dma_start3A_212 = tpu.memref_squeeze %dma_start3A_211 : memref<1x32x128xf32, #tpu.memory_space<vmem>> -> memref<32x128xf32, #tpu.memory_space<vmem>>
    %dma_start3A_213 = arith.constant 0 : i32
    %dma_start3A_214 = tpu.memref_slice %arg2[%dma_start3A_213, %multiple_of3A_198] : memref<32x1000000xf32, #tpu.memory_space<hbm>> -> memref<32x128xf32, #tpu.memory_space<hbm>>
    tpu.enqueue_dma source(%dma_start3A_214 : memref<32x128xf32, #tpu.memory_space<hbm>>) target(%dma_start3A_212 : memref<32x128xf32, #tpu.memory_space<vmem>>) target_semaphore(%dma_start3A_208 : memref<!tpu.dma_semaphore, #tpu.memory_space<semaphore_mem>>)
    %scan3A = arith.constant 0 : i32
    %scan3A_215 = arith.constant 64 : i32
    %scan3A_216 = arith.addi %scan3A, %scan3A_215 : i32
    %scan3A_217 = arith.constant 1 : i32
    scf.for %scan3A_219 = %scan3A to %scan3A_216 step %scan3A_217  : i32 {
      %mul3A_220 = arith.constant 8 : i32
      %mul3A_221 = arith.muli %scan3A_219, %mul3A_220 : i32
      %add3A_222 = arith.constant 0 : i32
      %add3A_223 = arith.addi %mul3A_221, %add3A_222 : i32
      %get3A_224 = arith.index_cast %add3A_223 : i32 to index
      %get3A_225 = tpu.vector_load %arg5[%get3A_224] {strides = array<i32>} : memref<528xi32, #tpu.memory_space<vmem>>, vector<16xi32>,
      %slice3A_226 = vector.extract_strided_slice %get3A_225 {offsets = [0], sizes = [1], strides = [1]} : vector<16xi32> to vector<1xi32>
      %squeeze3A_227 = vector.extract %slice3A_226[0] : i32 from vector<1xi32>
      %dma_wait3A = arith.constant 0 : i32
      %dma_wait3A_228 = arith.constant 0 : i32
      %dma_wait3A_229 = arith.constant 0 : i32
      %dma_wait3A_230 = arith.constant 0 : i32
      %dma_wait3A_231 = tpu.memref_slice %arg6[%dma_wait3A, %dma_wait3A_229, %dma_wait3A_230] : memref<8x32x128xf32, #tpu.memory_space<vmem>> -> memref<1x32x128xf32, #tpu.memory_space<vmem>>
      %dma_wait3A_232 = tpu.memref_squeeze %dma_wait3A_231 : memref<1x32x128xf32, #tpu.memory_space<vmem>> -> memref<32x128xf32, #tpu.memory_space<vmem>>
      %dma_wait3A_233 = arith.constant 0 : i32
      %dma_wait3A_234 = arith.constant 0 : i32
      %dma_wait3A_235 = tpu.memref_slice %arg2[%dma_wait3A_233, %dma_wait3A_234] : memref<32x1000000xf32, #tpu.memory_space<hbm>> -> memref<32x128xf32, #tpu.memory_space<hbm>>
      %dma_wait3A_236 = tpu.memref_slice %arg9[%dma_wait3A_228] : memref<8x!tpu.dma_semaphore, #tpu.memory_space<semaphore_mem>> -> memref<1x!tpu.dma_semaphore, #tpu.memory_space<semaphore_mem>>
      %dma_wait3A_237 = tpu.memref_squeeze %dma_wait3A_236 : memref<1x!tpu.dma_semaphore, #tpu.memory_space<semaphore_mem>> -> memref<!tpu.dma_semaphore, #tpu.memory_space<semaphore_mem>>
      %dma_wait3A_238 = arith.constant 0 : i32
      %dma_wait3A_239 = arith.constant 0 : i32
      %dma_wait3A_240 = tpu.memref_slice %arg6[%dma_wait3A, %dma_wait3A_238, %dma_wait3A_239] : memref<8x32x128xf32, #tpu.memory_space<vmem>> -> memref<1x32x128xf32, #tpu.memory_space<vmem>>
      %dma_wait3A_241 = tpu.memref_squeeze %dma_wait3A_240 : memref<1x32x128xf32, #tpu.memory_space<vmem>> -> memref<32x128xf32, #tpu.memory_space<vmem>>
      %dma_wait3A_242 = arith.constant 0 : i32
      %dma_wait3A_243 = arith.constant 0 : i32
      %dma_wait3A_244 = tpu.memref_slice %arg2[%dma_wait3A_242, %dma_wait3A_243] : memref<32x1000000xf32, #tpu.memory_space<hbm>> -> memref<32x128xf32, #tpu.memory_space<hbm>>
      tpu.wait_dma2 semaphore(%dma_wait3A_237 : memref<!tpu.dma_semaphore, #tpu.memory_space<semaphore_mem>>) src(%dma_wait3A_244 : memref<32x128xf32, #tpu.memory_space<hbm>>) dst(%dma_wait3A_241 : memref<32x128xf32, #tpu.memory_space<vmem>>)
      %broadcast_in_dim3A = arith.constant 0 : i32
      %broadcast_in_dim3A_245 = vector.broadcast %broadcast_in_dim3A : i32 to vector<16xi32>
      %add3A_246 = vector.broadcast %add3A_223 : i32 to vector<16xi32>
      %add3A_247 = arith.addi %broadcast_in_dim3A_245, %add3A_246 : vector<16xi32>
      %lt3A = arith.constant 999936 : i32
      %lt3A_248 = arith.cmpi slt, %squeeze3A_227, %lt3A : i32
      %convert_element_type3A = arith.extui %lt3A_248 : i1 to i32
      %cond3A = arith.constant 0 : i32
      %cond3A_249 = arith.cmpi ne, %convert_element_type3A, %cond3A : i32
      scf.if %cond3A_249 {
        %broadcast_in_dim3A_590 = arith.constant 0 : i32
        %broadcast_in_dim3A_591 = vector.broadcast %broadcast_in_dim3A_590 : i32 to vector<16xi32>
        %shift_right_logical3A_592 = arith.constant 7 : i32
        %shift_right_logical3A_593 = arith.shrui %squeeze3A_227, %shift_right_logical3A_592 : i32
        %shift_left3A_594 = arith.constant 7 : i32
        %shift_left3A_595 = arith.shli %shift_right_logical3A_593, %shift_left3A_594 : i32
        %min3A_596 = arith.constant 999808 : i32
        %min3A_597 = arith.minsi %shift_left3A_595, %min3A_596 : i32
        %multiple_of3A_598 = tpu.assume_multiple %min3A_597, 128 : i32
        %sub3A = arith.subi %squeeze3A_227, %multiple_of3A_598 : i32
        %add3A_599 = vector.broadcast %sub3A : i32 to vector<16xi32>
        %add3A_600 = arith.addi %broadcast_in_dim3A_591, %add3A_599 : vector<16xi32>
        %gather3A = arith.constant 0 : i32
        %gather3A_601 = arith.constant 0 : i32
        %gather3A_602 = arith.constant 0 : i32
        %gather3A_603 = tpu.memref_slice %arg6[%gather3A, %gather3A_601, %gather3A_602] : memref<8x32x128xf32, #tpu.memory_space<vmem>> -> memref<1x32x128xf32, #tpu.memory_space<vmem>>
        %gather3A_604 = tpu.memref_squeeze %gather3A_603 : memref<1x32x128xf32, #tpu.memory_space<vmem>> -> memref<32x128xf32, #tpu.memory_space<vmem>>
        %gather3A_605 = tpu.vector_load_idx %gather3A_604[%iota3A, %add3A_600] : memref<32x128xf32, #tpu.memory_space<vmem>>[vector<16xi32>, vector<16xi32>], vector<16xf32>,
        %gather3A_606 = arith.constant 0 : i32
        %gather3A_607 = arith.constant 0 : i32
        %gather3A_608 = arith.constant 0 : i32
        %gather3A_609 = tpu.memref_slice %arg6[%gather3A_606, %gather3A_607, %gather3A_608] : memref<8x32x128xf32, #tpu.memory_space<vmem>> -> memref<1x32x128xf32, #tpu.memory_space<vmem>>
        %gather3A_610 = tpu.memref_squeeze %gather3A_609 : memref<1x32x128xf32, #tpu.memory_space<vmem>> -> memref<32x128xf32, #tpu.memory_space<vmem>>
        %gather3A_611 = tpu.vector_load_idx %gather3A_610[%add3A_5, %add3A_600] : memref<32x128xf32, #tpu.memory_space<vmem>>[vector<16xi32>, vector<16xi32>], vector<16xf32>,
        tpu.vector_store_idx %arg8[%iota3A, %add3A_247], %gather3A_605 : memref<32x512xf32, #tpu.memory_space<vmem>>[vector<16xi32>, vector<16xi32>], vector<16xf32>,
        tpu.vector_store_idx %arg8[%add3A_5, %add3A_247], %gather3A_611 : memref<32x512xf32, #tpu.memory_space<vmem>>[vector<16xi32>, vector<16xi32>], vector<16xf32>,
      } else {
      }
      %ge3A = arith.constant 999936 : i32
      %ge3A_250 = arith.cmpi sge, %squeeze3A_227, %ge3A : i32
      %convert_element_type3A_251 = arith.extui %ge3A_250 : i1 to i32
      %cond3A_252 = arith.constant 0 : i32
      %cond3A_253 = arith.cmpi ne, %convert_element_type3A_251, %cond3A_252 : i32
      scf.if %cond3A_253 {
        %broadcast_in_dim3A_590 = arith.constant 0 : i32
        %broadcast_in_dim3A_591 = vector.broadcast %broadcast_in_dim3A_590 : i32 to vector<16xi32>
        %sub3A = arith.constant 999936 : i32
        %sub3A_592 = arith.subi %squeeze3A_227, %sub3A : i32
        %add3A_593 = vector.broadcast %sub3A_592 : i32 to vector<16xi32>
        %add3A_594 = arith.addi %broadcast_in_dim3A_591, %add3A_593 : vector<16xi32>
        %gather3A = tpu.vector_load_idx %arg7[%iota3A, %add3A_594] : memref<32x64xf32, #tpu.memory_space<vmem>>[vector<16xi32>, vector<16xi32>], vector<16xf32>,
        %gather3A_595 = tpu.vector_load_idx %arg7[%add3A_5, %add3A_594] : memref<32x64xf32, #tpu.memory_space<vmem>>[vector<16xi32>, vector<16xi32>], vector<16xf32>,
        tpu.vector_store_idx %arg8[%iota3A, %add3A_247], %gather3A : memref<32x512xf32, #tpu.memory_space<vmem>>[vector<16xi32>, vector<16xi32>], vector<16xf32>,
        tpu.vector_store_idx %arg8[%add3A_5, %add3A_247], %gather3A_595 : memref<32x512xf32, #tpu.memory_space<vmem>>[vector<16xi32>, vector<16xi32>], vector<16xf32>,
      } else {
      }
      %add3A_254 = arith.constant 8 : i32
      %add3A_255 = arith.addi %add3A_223, %add3A_254 : i32
      %lt3A_256 = arith.constant 512 : i32
      %lt3A_257 = arith.cmpi slt, %add3A_255, %lt3A_256 : i32
      %convert_element_type3A_258 = arith.extui %lt3A_257 : i1 to i32
      %cond3A_259 = arith.constant 0 : i32
      %cond3A_260 = arith.cmpi ne, %convert_element_type3A_258, %cond3A_259 : i32
      scf.if %cond3A_260 {
        %get3A_590 = arith.index_cast %add3A_255 : i32 to index
        %get3A_591 = tpu.vector_load %arg5[%get3A_590] {strides = array<i32>} : memref<528xi32, #tpu.memory_space<vmem>>, vector<16xi32>,
        %slice3A_592 = vector.extract_strided_slice %get3A_591 {offsets = [0], sizes = [1], strides = [1]} : vector<16xi32> to vector<1xi32>
        %squeeze3A_593 = vector.extract %slice3A_592[0] : i32 from vector<1xi32>
        %shift_right_logical3A_594 = arith.constant 7 : i32
        %shift_right_logical3A_595 = arith.shrui %squeeze3A_593, %shift_right_logical3A_594 : i32
        %shift_left3A_596 = arith.constant 7 : i32
        %shift_left3A_597 = arith.shli %shift_right_logical3A_595, %shift_left3A_596 : i32
        %min3A_598 = arith.constant 999808 : i32
        %min3A_599 = arith.minsi %shift_left3A_597, %min3A_598 : i32
        %multiple_of3A_600 = tpu.assume_multiple %min3A_599, 128 : i32
        %dma_start3A_601 = arith.constant 0 : i32
        %dma_start3A_602 = arith.constant 0 : i32
        %dma_start3A_603 = arith.constant 0 : i32
        %dma_start3A_604 = arith.constant 0 : i32
        %dma_start3A_605 = tpu.memref_slice %arg6[%dma_start3A_601, %dma_start3A_603, %dma_start3A_604] : memref<8x32x128xf32, #tpu.memory_space<vmem>> -> memref<1x32x128xf32, #tpu.memory_space<vmem>>
        %dma_start3A_606 = tpu.memref_squeeze %dma_start3A_605 : memref<1x32x128xf32, #tpu.memory_space<vmem>> -> memref<32x128xf32, #tpu.memory_space<vmem>>
        %dma_start3A_607 = arith.constant 0 : i32
        %dma_start3A_608 = tpu.memref_slice %arg2[%dma_start3A_607, %multiple_of3A_600] : memref<32x1000000xf32, #tpu.memory_space<hbm>> -> memref<32x128xf32, #tpu.memory_space<hbm>>
        %dma_start3A_609 = tpu.memref_slice %arg9[%dma_start3A_602] : memref<8x!tpu.dma_semaphore, #tpu.memory_space<semaphore_mem>> -> memref<1x!tpu.dma_semaphore, #tpu.memory_space<semaphore_mem>>
        %dma_start3A_610 = tpu.memref_squeeze %dma_start3A_609 : memref<1x!tpu.dma_semaphore, #tpu.memory_space<semaphore_mem>> -> memref<!tpu.dma_semaphore, #tpu.memory_space<semaphore_mem>>
        %dma_start3A_611 = arith.constant 0 : i32
        %dma_start3A_612 = arith.constant 0 : i32
        %dma_start3A_613 = tpu.memref_slice %arg6[%dma_start3A_601, %dma_start3A_611, %dma_start3A_612] : memref<8x32x128xf32, #tpu.memory_space<vmem>> -> memref<1x32x128xf32, #tpu.memory_space<vmem>>
        %dma_start3A_614 = tpu.memref_squeeze %dma_start3A_613 : memref<1x32x128xf32, #tpu.memory_space<vmem>> -> memref<32x128xf32, #tpu.memory_space<vmem>>
        %dma_start3A_615 = arith.constant 0 : i32
        %dma_start3A_616 = tpu.memref_slice %arg2[%dma_start3A_615, %multiple_of3A_600] : memref<32x1000000xf32, #tpu.memory_space<hbm>> -> memref<32x128xf32, #tpu.memory_space<hbm>>
        tpu.enqueue_dma source(%dma_start3A_616 : memref<32x128xf32, #tpu.memory_space<hbm>>) target(%dma_start3A_614 : memref<32x128xf32, #tpu.memory_space<vmem>>) target_semaphore(%dma_start3A_610 : memref<!tpu.dma_semaphore, #tpu.memory_space<semaphore_mem>>)
      } else {
      }
      %mul3A_261 = arith.constant 8 : i32
      %mul3A_262 = arith.muli %scan3A_219, %mul3A_261 : i32
      %add3A_263 = arith.constant 1 : i32
      %add3A_264 = arith.addi %mul3A_262, %add3A_263 : i32
      %get3A_265 = arith.index_cast %add3A_264 : i32 to index
      %get3A_266 = tpu.vector_load %arg5[%get3A_265] {strides = array<i32>} : memref<528xi32, #tpu.memory_space<vmem>>, vector<16xi32>,
      %slice3A_267 = vector.extract_strided_slice %get3A_266 {offsets = [0], sizes = [1], strides = [1]} : vector<16xi32> to vector<1xi32>
      %squeeze3A_268 = vector.extract %slice3A_267[0] : i32 from vector<1xi32>
      %dma_wait3A_269 = arith.constant 1 : i32
      %dma_wait3A_270 = arith.constant 1 : i32
      %dma_wait3A_271 = arith.constant 0 : i32
      %dma_wait3A_272 = arith.constant 0 : i32
      %dma_wait3A_273 = tpu.memref_slice %arg6[%dma_wait3A_269, %dma_wait3A_271, %dma_wait3A_272] : memref<8x32x128xf32, #tpu.memory_space<vmem>> -> memref<1x32x128xf32, #tpu.memory_space<vmem>>
      %dma_wait3A_274 = tpu.memref_squeeze %dma_wait3A_273 : memref<1x32x128xf32, #tpu.memory_space<vmem>> -> memref<32x128xf32, #tpu.memory_space<vmem>>
      %dma_wait3A_275 = arith.constant 0 : i32
      %dma_wait3A_276 = arith.constant 0 : i32
      %dma_wait3A_277 = tpu.memref_slice %arg2[%dma_wait3A_275, %dma_wait3A_276] : memref<32x1000000xf32, #tpu.memory_space<hbm>> -> memref<32x128xf32, #tpu.memory_space<hbm>>
      %dma_wait3A_278 = tpu.memref_slice %arg9[%dma_wait3A_270] : memref<8x!tpu.dma_semaphore, #tpu.memory_space<semaphore_mem>> -> memref<1x!tpu.dma_semaphore, #tpu.memory_space<semaphore_mem>>
      %dma_wait3A_279 = tpu.memref_squeeze %dma_wait3A_278 : memref<1x!tpu.dma_semaphore, #tpu.memory_space<semaphore_mem>> -> memref<!tpu.dma_semaphore, #tpu.memory_space<semaphore_mem>>
      %dma_wait3A_280 = arith.constant 0 : i32
      %dma_wait3A_281 = arith.constant 0 : i32
      %dma_wait3A_282 = tpu.memref_slice %arg6[%dma_wait3A_269, %dma_wait3A_280, %dma_wait3A_281] : memref<8x32x128xf32, #tpu.memory_space<vmem>> -> memref<1x32x128xf32, #tpu.memory_space<vmem>>
      %dma_wait3A_283 = tpu.memref_squeeze %dma_wait3A_282 : memref<1x32x128xf32, #tpu.memory_space<vmem>> -> memref<32x128xf32, #tpu.memory_space<vmem>>
      %dma_wait3A_284 = arith.constant 0 : i32
      %dma_wait3A_285 = arith.constant 0 : i32
      %dma_wait3A_286 = tpu.memref_slice %arg2[%dma_wait3A_284, %dma_wait3A_285] : memref<32x1000000xf32, #tpu.memory_space<hbm>> -> memref<32x128xf32, #tpu.memory_space<hbm>>
      tpu.wait_dma2 semaphore(%dma_wait3A_279 : memref<!tpu.dma_semaphore, #tpu.memory_space<semaphore_mem>>) src(%dma_wait3A_286 : memref<32x128xf32, #tpu.memory_space<hbm>>) dst(%dma_wait3A_283 : memref<32x128xf32, #tpu.memory_space<vmem>>)
      %broadcast_in_dim3A_287 = arith.constant 0 : i32
      %broadcast_in_dim3A_288 = vector.broadcast %broadcast_in_dim3A_287 : i32 to vector<16xi32>
      %add3A_289 = vector.broadcast %add3A_264 : i32 to vector<16xi32>
      %add3A_290 = arith.addi %broadcast_in_dim3A_288, %add3A_289 : vector<16xi32>
      %lt3A_291 = arith.constant 999936 : i32
      %lt3A_292 = arith.cmpi slt, %squeeze3A_268, %lt3A_291 : i32
      %convert_element_type3A_293 = arith.extui %lt3A_292 : i1 to i32
      %cond3A_294 = arith.constant 0 : i32
      %cond3A_295 = arith.cmpi ne, %convert_element_type3A_293, %cond3A_294 : i32
      scf.if %cond3A_295 {
        %broadcast_in_dim3A_590 = arith.constant 0 : i32
        %broadcast_in_dim3A_591 = vector.broadcast %broadcast_in_dim3A_590 : i32 to vector<16xi32>
        %shift_right_logical3A_592 = arith.constant 7 : i32
        %shift_right_logical3A_593 = arith.shrui %squeeze3A_268, %shift_right_logical3A_592 : i32
        %shift_left3A_594 = arith.constant 7 : i32
        %shift_left3A_595 = arith.shli %shift_right_logical3A_593, %shift_left3A_594 : i32
        %min3A_596 = arith.constant 999808 : i32
        %min3A_597 = arith.minsi %shift_left3A_595, %min3A_596 : i32
        %multiple_of3A_598 = tpu.assume_multiple %min3A_597, 128 : i32
        %sub3A = arith.subi %squeeze3A_268, %multiple_of3A_598 : i32
        %add3A_599 = vector.broadcast %sub3A : i32 to vector<16xi32>
        %add3A_600 = arith.addi %broadcast_in_dim3A_591, %add3A_599 : vector<16xi32>
        %gather3A = arith.constant 1 : i32
        %gather3A_601 = arith.constant 0 : i32
        %gather3A_602 = arith.constant 0 : i32
        %gather3A_603 = tpu.memref_slice %arg6[%gather3A, %gather3A_601, %gather3A_602] : memref<8x32x128xf32, #tpu.memory_space<vmem>> -> memref<1x32x128xf32, #tpu.memory_space<vmem>>
        %gather3A_604 = tpu.memref_squeeze %gather3A_603 : memref<1x32x128xf32, #tpu.memory_space<vmem>> -> memref<32x128xf32, #tpu.memory_space<vmem>>
        %gather3A_605 = tpu.vector_load_idx %gather3A_604[%iota3A, %add3A_600] : memref<32x128xf32, #tpu.memory_space<vmem>>[vector<16xi32>, vector<16xi32>], vector<16xf32>,
        %gather3A_606 = arith.constant 1 : i32
        %gather3A_607 = arith.constant 0 : i32
        %gather3A_608 = arith.constant 0 : i32
        %gather3A_609 = tpu.memref_slice %arg6[%gather3A_606, %gather3A_607, %gather3A_608] : memref<8x32x128xf32, #tpu.memory_space<vmem>> -> memref<1x32x128xf32, #tpu.memory_space<vmem>>
        %gather3A_610 = tpu.memref_squeeze %gather3A_609 : memref<1x32x128xf32, #tpu.memory_space<vmem>> -> memref<32x128xf32, #tpu.memory_space<vmem>>
        %gather3A_611 = tpu.vector_load_idx %gather3A_610[%add3A_5, %add3A_600] : memref<32x128xf32, #tpu.memory_space<vmem>>[vector<16xi32>, vector<16xi32>], vector<16xf32>,
        tpu.vector_store_idx %arg8[%iota3A, %add3A_290], %gather3A_605 : memref<32x512xf32, #tpu.memory_space<vmem>>[vector<16xi32>, vector<16xi32>], vector<16xf32>,
        tpu.vector_store_idx %arg8[%add3A_5, %add3A_290], %gather3A_611 : memref<32x512xf32, #tpu.memory_space<vmem>>[vector<16xi32>, vector<16xi32>], vector<16xf32>,
      } else {
      }
      %ge3A_296 = arith.constant 999936 : i32
      %ge3A_297 = arith.cmpi sge, %squeeze3A_268, %ge3A_296 : i32
      %convert_element_type3A_298 = arith.extui %ge3A_297 : i1 to i32
      %cond3A_299 = arith.constant 0 : i32
      %cond3A_300 = arith.cmpi ne, %convert_element_type3A_298, %cond3A_299 : i32
      scf.if %cond3A_300 {
        %broadcast_in_dim3A_590 = arith.constant 0 : i32
        %broadcast_in_dim3A_591 = vector.broadcast %broadcast_in_dim3A_590 : i32 to vector<16xi32>
        %sub3A = arith.constant 999936 : i32
        %sub3A_592 = arith.subi %squeeze3A_268, %sub3A : i32
        %add3A_593 = vector.broadcast %sub3A_592 : i32 to vector<16xi32>
        %add3A_594 = arith.addi %broadcast_in_dim3A_591, %add3A_593 : vector<16xi32>
        %gather3A = tpu.vector_load_idx %arg7[%iota3A, %add3A_594] : memref<32x64xf32, #tpu.memory_space<vmem>>[vector<16xi32>, vector<16xi32>], vector<16xf32>,
        %gather3A_595 = tpu.vector_load_idx %arg7[%add3A_5, %add3A_594] : memref<32x64xf32, #tpu.memory_space<vmem>>[vector<16xi32>, vector<16xi32>], vector<16xf32>,
        tpu.vector_store_idx %arg8[%iota3A, %add3A_290], %gather3A : memref<32x512xf32, #tpu.memory_space<vmem>>[vector<16xi32>, vector<16xi32>], vector<16xf32>,
        tpu.vector_store_idx %arg8[%add3A_5, %add3A_290], %gather3A_595 : memref<32x512xf32, #tpu.memory_space<vmem>>[vector<16xi32>, vector<16xi32>], vector<16xf32>,
      } else {
      }
      %add3A_301 = arith.constant 8 : i32
      %add3A_302 = arith.addi %add3A_264, %add3A_301 : i32
      %lt3A_303 = arith.constant 512 : i32
      %lt3A_304 = arith.cmpi slt, %add3A_302, %lt3A_303 : i32
      %convert_element_type3A_305 = arith.extui %lt3A_304 : i1 to i32
      %cond3A_306 = arith.constant 0 : i32
      %cond3A_307 = arith.cmpi ne, %convert_element_type3A_305, %cond3A_306 : i32
      scf.if %cond3A_307 {
        %get3A_590 = arith.index_cast %add3A_302 : i32 to index
        %get3A_591 = tpu.vector_load %arg5[%get3A_590] {strides = array<i32>} : memref<528xi32, #tpu.memory_space<vmem>>, vector<16xi32>,
        %slice3A_592 = vector.extract_strided_slice %get3A_591 {offsets = [0], sizes = [1], strides = [1]} : vector<16xi32> to vector<1xi32>
        %squeeze3A_593 = vector.extract %slice3A_592[0] : i32 from vector<1xi32>
        %shift_right_logical3A_594 = arith.constant 7 : i32
        %shift_right_logical3A_595 = arith.shrui %squeeze3A_593, %shift_right_logical3A_594 : i32
        %shift_left3A_596 = arith.constant 7 : i32
        %shift_left3A_597 = arith.shli %shift_right_logical3A_595, %shift_left3A_596 : i32
        %min3A_598 = arith.constant 999808 : i32
        %min3A_599 = arith.minsi %shift_left3A_597, %min3A_598 : i32
        %multiple_of3A_600 = tpu.assume_multiple %min3A_599, 128 : i32
        %dma_start3A_601 = arith.constant 1 : i32
        %dma_start3A_602 = arith.constant 1 : i32
        %dma_start3A_603 = arith.constant 0 : i32
        %dma_start3A_604 = arith.constant 0 : i32
        %dma_start3A_605 = tpu.memref_slice %arg6[%dma_start3A_601, %dma_start3A_603, %dma_start3A_604] : memref<8x32x128xf32, #tpu.memory_space<vmem>> -> memref<1x32x128xf32, #tpu.memory_space<vmem>>
        %dma_start3A_606 = tpu.memref_squeeze %dma_start3A_605 : memref<1x32x128xf32, #tpu.memory_space<vmem>> -> memref<32x128xf32, #tpu.memory_space<vmem>>
        %dma_start3A_607 = arith.constant 0 : i32
        %dma_start3A_608 = tpu.memref_slice %arg2[%dma_start3A_607, %multiple_of3A_600] : memref<32x1000000xf32, #tpu.memory_space<hbm>> -> memref<32x128xf32, #tpu.memory_space<hbm>>
        %dma_start3A_609 = tpu.memref_slice %arg9[%dma_start3A_602] : memref<8x!tpu.dma_semaphore, #tpu.memory_space<semaphore_mem>> -> memref<1x!tpu.dma_semaphore, #tpu.memory_space<semaphore_mem>>
        %dma_start3A_610 = tpu.memref_squeeze %dma_start3A_609 : memref<1x!tpu.dma_semaphore, #tpu.memory_space<semaphore_mem>> -> memref<!tpu.dma_semaphore, #tpu.memory_space<semaphore_mem>>
        %dma_start3A_611 = arith.constant 0 : i32
        %dma_start3A_612 = arith.constant 0 : i32
        %dma_start3A_613 = tpu.memref_slice %arg6[%dma_start3A_601, %dma_start3A_611, %dma_start3A_612] : memref<8x32x128xf32, #tpu.memory_space<vmem>> -> memref<1x32x128xf32, #tpu.memory_space<vmem>>
        %dma_start3A_614 = tpu.memref_squeeze %dma_start3A_613 : memref<1x32x128xf32, #tpu.memory_space<vmem>> -> memref<32x128xf32, #tpu.memory_space<vmem>>
        %dma_start3A_615 = arith.constant 0 : i32
        %dma_start3A_616 = tpu.memref_slice %arg2[%dma_start3A_615, %multiple_of3A_600] : memref<32x1000000xf32, #tpu.memory_space<hbm>> -> memref<32x128xf32, #tpu.memory_space<hbm>>
        tpu.enqueue_dma source(%dma_start3A_616 : memref<32x128xf32, #tpu.memory_space<hbm>>) target(%dma_start3A_614 : memref<32x128xf32, #tpu.memory_space<vmem>>) target_semaphore(%dma_start3A_610 : memref<!tpu.dma_semaphore, #tpu.memory_space<semaphore_mem>>)
      } else {
      }
      %mul3A_308 = arith.constant 8 : i32
      %mul3A_309 = arith.muli %scan3A_219, %mul3A_308 : i32
      %add3A_310 = arith.constant 2 : i32
      %add3A_311 = arith.addi %mul3A_309, %add3A_310 : i32
      %get3A_312 = arith.index_cast %add3A_311 : i32 to index
      %get3A_313 = tpu.vector_load %arg5[%get3A_312] {strides = array<i32>} : memref<528xi32, #tpu.memory_space<vmem>>, vector<16xi32>,
      %slice3A_314 = vector.extract_strided_slice %get3A_313 {offsets = [0], sizes = [1], strides = [1]} : vector<16xi32> to vector<1xi32>
      %squeeze3A_315 = vector.extract %slice3A_314[0] : i32 from vector<1xi32>
      %dma_wait3A_316 = arith.constant 2 : i32
      %dma_wait3A_317 = arith.constant 2 : i32
      %dma_wait3A_318 = arith.constant 0 : i32
      %dma_wait3A_319 = arith.constant 0 : i32
      %dma_wait3A_320 = tpu.memref_slice %arg6[%dma_wait3A_316, %dma_wait3A_318, %dma_wait3A_319] : memref<8x32x128xf32, #tpu.memory_space<vmem>> -> memref<1x32x128xf32, #tpu.memory_space<vmem>>
      %dma_wait3A_321 = tpu.memref_squeeze %dma_wait3A_320 : memref<1x32x128xf32, #tpu.memory_space<vmem>> -> memref<32x128xf32, #tpu.memory_space<vmem>>
      %dma_wait3A_322 = arith.constant 0 : i32
      %dma_wait3A_323 = arith.constant 0 : i32
      %dma_wait3A_324 = tpu.memref_slice %arg2[%dma_wait3A_322, %dma_wait3A_323] : memref<32x1000000xf32, #tpu.memory_space<hbm>> -> memref<32x128xf32, #tpu.memory_space<hbm>>
      %dma_wait3A_325 = tpu.memref_slice %arg9[%dma_wait3A_317] : memref<8x!tpu.dma_semaphore, #tpu.memory_space<semaphore_mem>> -> memref<1x!tpu.dma_semaphore, #tpu.memory_space<semaphore_mem>>
      %dma_wait3A_326 = tpu.memref_squeeze %dma_wait3A_325 : memref<1x!tpu.dma_semaphore, #tpu.memory_space<semaphore_mem>> -> memref<!tpu.dma_semaphore, #tpu.memory_space<semaphore_mem>>
      %dma_wait3A_327 = arith.constant 0 : i32
      %dma_wait3A_328 = arith.constant 0 : i32
      %dma_wait3A_329 = tpu.memref_slice %arg6[%dma_wait3A_316, %dma_wait3A_327, %dma_wait3A_328] : memref<8x32x128xf32, #tpu.memory_space<vmem>> -> memref<1x32x128xf32, #tpu.memory_space<vmem>>
      %dma_wait3A_330 = tpu.memref_squeeze %dma_wait3A_329 : memref<1x32x128xf32, #tpu.memory_space<vmem>> -> memref<32x128xf32, #tpu.memory_space<vmem>>
      %dma_wait3A_331 = arith.constant 0 : i32
      %dma_wait3A_332 = arith.constant 0 : i32
      %dma_wait3A_333 = tpu.memref_slice %arg2[%dma_wait3A_331, %dma_wait3A_332] : memref<32x1000000xf32, #tpu.memory_space<hbm>> -> memref<32x128xf32, #tpu.memory_space<hbm>>
      tpu.wait_dma2 semaphore(%dma_wait3A_326 : memref<!tpu.dma_semaphore, #tpu.memory_space<semaphore_mem>>) src(%dma_wait3A_333 : memref<32x128xf32, #tpu.memory_space<hbm>>) dst(%dma_wait3A_330 : memref<32x128xf32, #tpu.memory_space<vmem>>)
      %broadcast_in_dim3A_334 = arith.constant 0 : i32
      %broadcast_in_dim3A_335 = vector.broadcast %broadcast_in_dim3A_334 : i32 to vector<16xi32>
      %add3A_336 = vector.broadcast %add3A_311 : i32 to vector<16xi32>
      %add3A_337 = arith.addi %broadcast_in_dim3A_335, %add3A_336 : vector<16xi32>
      %lt3A_338 = arith.constant 999936 : i32
      %lt3A_339 = arith.cmpi slt, %squeeze3A_315, %lt3A_338 : i32
      %convert_element_type3A_340 = arith.extui %lt3A_339 : i1 to i32
      %cond3A_341 = arith.constant 0 : i32
      %cond3A_342 = arith.cmpi ne, %convert_element_type3A_340, %cond3A_341 : i32
      scf.if %cond3A_342 {
        %broadcast_in_dim3A_590 = arith.constant 0 : i32
        %broadcast_in_dim3A_591 = vector.broadcast %broadcast_in_dim3A_590 : i32 to vector<16xi32>
        %shift_right_logical3A_592 = arith.constant 7 : i32
        %shift_right_logical3A_593 = arith.shrui %squeeze3A_315, %shift_right_logical3A_592 : i32
        %shift_left3A_594 = arith.constant 7 : i32
        %shift_left3A_595 = arith.shli %shift_right_logical3A_593, %shift_left3A_594 : i32
        %min3A_596 = arith.constant 999808 : i32
        %min3A_597 = arith.minsi %shift_left3A_595, %min3A_596 : i32
        %multiple_of3A_598 = tpu.assume_multiple %min3A_597, 128 : i32
        %sub3A = arith.subi %squeeze3A_315, %multiple_of3A_598 : i32
        %add3A_599 = vector.broadcast %sub3A : i32 to vector<16xi32>
        %add3A_600 = arith.addi %broadcast_in_dim3A_591, %add3A_599 : vector<16xi32>
        %gather3A = arith.constant 2 : i32
        %gather3A_601 = arith.constant 0 : i32
        %gather3A_602 = arith.constant 0 : i32
        %gather3A_603 = tpu.memref_slice %arg6[%gather3A, %gather3A_601, %gather3A_602] : memref<8x32x128xf32, #tpu.memory_space<vmem>> -> memref<1x32x128xf32, #tpu.memory_space<vmem>>
        %gather3A_604 = tpu.memref_squeeze %gather3A_603 : memref<1x32x128xf32, #tpu.memory_space<vmem>> -> memref<32x128xf32, #tpu.memory_space<vmem>>
        %gather3A_605 = tpu.vector_load_idx %gather3A_604[%iota3A, %add3A_600] : memref<32x128xf32, #tpu.memory_space<vmem>>[vector<16xi32>, vector<16xi32>], vector<16xf32>,
        %gather3A_606 = arith.constant 2 : i32
        %gather3A_607 = arith.constant 0 : i32
        %gather3A_608 = arith.constant 0 : i32
        %gather3A_609 = tpu.memref_slice %arg6[%gather3A_606, %gather3A_607, %gather3A_608] : memref<8x32x128xf32, #tpu.memory_space<vmem>> -> memref<1x32x128xf32, #tpu.memory_space<vmem>>
        %gather3A_610 = tpu.memref_squeeze %gather3A_609 : memref<1x32x128xf32, #tpu.memory_space<vmem>> -> memref<32x128xf32, #tpu.memory_space<vmem>>
        %gather3A_611 = tpu.vector_load_idx %gather3A_610[%add3A_5, %add3A_600] : memref<32x128xf32, #tpu.memory_space<vmem>>[vector<16xi32>, vector<16xi32>], vector<16xf32>,
        tpu.vector_store_idx %arg8[%iota3A, %add3A_337], %gather3A_605 : memref<32x512xf32, #tpu.memory_space<vmem>>[vector<16xi32>, vector<16xi32>], vector<16xf32>,
        tpu.vector_store_idx %arg8[%add3A_5, %add3A_337], %gather3A_611 : memref<32x512xf32, #tpu.memory_space<vmem>>[vector<16xi32>, vector<16xi32>], vector<16xf32>,
      } else {
      }
      %ge3A_343 = arith.constant 999936 : i32
      %ge3A_344 = arith.cmpi sge, %squeeze3A_315, %ge3A_343 : i32
      %convert_element_type3A_345 = arith.extui %ge3A_344 : i1 to i32
      %cond3A_346 = arith.constant 0 : i32
      %cond3A_347 = arith.cmpi ne, %convert_element_type3A_345, %cond3A_346 : i32
      scf.if %cond3A_347 {
        %broadcast_in_dim3A_590 = arith.constant 0 : i32
        %broadcast_in_dim3A_591 = vector.broadcast %broadcast_in_dim3A_590 : i32 to vector<16xi32>
        %sub3A = arith.constant 999936 : i32
        %sub3A_592 = arith.subi %squeeze3A_315, %sub3A : i32
        %add3A_593 = vector.broadcast %sub3A_592 : i32 to vector<16xi32>
        %add3A_594 = arith.addi %broadcast_in_dim3A_591, %add3A_593 : vector<16xi32>
        %gather3A = tpu.vector_load_idx %arg7[%iota3A, %add3A_594] : memref<32x64xf32, #tpu.memory_space<vmem>>[vector<16xi32>, vector<16xi32>], vector<16xf32>,
        %gather3A_595 = tpu.vector_load_idx %arg7[%add3A_5, %add3A_594] : memref<32x64xf32, #tpu.memory_space<vmem>>[vector<16xi32>, vector<16xi32>], vector<16xf32>,
        tpu.vector_store_idx %arg8[%iota3A, %add3A_337], %gather3A : memref<32x512xf32, #tpu.memory_space<vmem>>[vector<16xi32>, vector<16xi32>], vector<16xf32>,
        tpu.vector_store_idx %arg8[%add3A_5, %add3A_337], %gather3A_595 : memref<32x512xf32, #tpu.memory_space<vmem>>[vector<16xi32>, vector<16xi32>], vector<16xf32>,
      } else {
      }
      %add3A_348 = arith.constant 8 : i32
      %add3A_349 = arith.addi %add3A_311, %add3A_348 : i32
      %lt3A_350 = arith.constant 512 : i32
      %lt3A_351 = arith.cmpi slt, %add3A_349, %lt3A_350 : i32
      %convert_element_type3A_352 = arith.extui %lt3A_351 : i1 to i32
      %cond3A_353 = arith.constant 0 : i32
      %cond3A_354 = arith.cmpi ne, %convert_element_type3A_352, %cond3A_353 : i32
      scf.if %cond3A_354 {
        %get3A_590 = arith.index_cast %add3A_349 : i32 to index
        %get3A_591 = tpu.vector_load %arg5[%get3A_590] {strides = array<i32>} : memref<528xi32, #tpu.memory_space<vmem>>, vector<16xi32>,
        %slice3A_592 = vector.extract_strided_slice %get3A_591 {offsets = [0], sizes = [1], strides = [1]} : vector<16xi32> to vector<1xi32>
        %squeeze3A_593 = vector.extract %slice3A_592[0] : i32 from vector<1xi32>
        %shift_right_logical3A_594 = arith.constant 7 : i32
        %shift_right_logical3A_595 = arith.shrui %squeeze3A_593, %shift_right_logical3A_594 : i32
        %shift_left3A_596 = arith.constant 7 : i32
        %shift_left3A_597 = arith.shli %shift_right_logical3A_595, %shift_left3A_596 : i32
        %min3A_598 = arith.constant 999808 : i32
        %min3A_599 = arith.minsi %shift_left3A_597, %min3A_598 : i32
        %multiple_of3A_600 = tpu.assume_multiple %min3A_599, 128 : i32
        %dma_start3A_601 = arith.constant 2 : i32
        %dma_start3A_602 = arith.constant 2 : i32
        %dma_start3A_603 = arith.constant 0 : i32
        %dma_start3A_604 = arith.constant 0 : i32
        %dma_start3A_605 = tpu.memref_slice %arg6[%dma_start3A_601, %dma_start3A_603, %dma_start3A_604] : memref<8x32x128xf32, #tpu.memory_space<vmem>> -> memref<1x32x128xf32, #tpu.memory_space<vmem>>
        %dma_start3A_606 = tpu.memref_squeeze %dma_start3A_605 : memref<1x32x128xf32, #tpu.memory_space<vmem>> -> memref<32x128xf32, #tpu.memory_space<vmem>>
        %dma_start3A_607 = arith.constant 0 : i32
        %dma_start3A_608 = tpu.memref_slice %arg2[%dma_start3A_607, %multiple_of3A_600] : memref<32x1000000xf32, #tpu.memory_space<hbm>> -> memref<32x128xf32, #tpu.memory_space<hbm>>
        %dma_start3A_609 = tpu.memref_slice %arg9[%dma_start3A_602] : memref<8x!tpu.dma_semaphore, #tpu.memory_space<semaphore_mem>> -> memref<1x!tpu.dma_semaphore, #tpu.memory_space<semaphore_mem>>
        %dma_start3A_610 = tpu.memref_squeeze %dma_start3A_609 : memref<1x!tpu.dma_semaphore, #tpu.memory_space<semaphore_mem>> -> memref<!tpu.dma_semaphore, #tpu.memory_space<semaphore_mem>>
        %dma_start3A_611 = arith.constant 0 : i32
        %dma_start3A_612 = arith.constant 0 : i32
        %dma_start3A_613 = tpu.memref_slice %arg6[%dma_start3A_601, %dma_start3A_611, %dma_start3A_612] : memref<8x32x128xf32, #tpu.memory_space<vmem>> -> memref<1x32x128xf32, #tpu.memory_space<vmem>>
        %dma_start3A_614 = tpu.memref_squeeze %dma_start3A_613 : memref<1x32x128xf32, #tpu.memory_space<vmem>> -> memref<32x128xf32, #tpu.memory_space<vmem>>
        %dma_start3A_615 = arith.constant 0 : i32
        %dma_start3A_616 = tpu.memref_slice %arg2[%dma_start3A_615, %multiple_of3A_600] : memref<32x1000000xf32, #tpu.memory_space<hbm>> -> memref<32x128xf32, #tpu.memory_space<hbm>>
        tpu.enqueue_dma source(%dma_start3A_616 : memref<32x128xf32, #tpu.memory_space<hbm>>) target(%dma_start3A_614 : memref<32x128xf32, #tpu.memory_space<vmem>>) target_semaphore(%dma_start3A_610 : memref<!tpu.dma_semaphore, #tpu.memory_space<semaphore_mem>>)
      } else {
      }
      %mul3A_355 = arith.constant 8 : i32
      %mul3A_356 = arith.muli %scan3A_219, %mul3A_355 : i32
      %add3A_357 = arith.constant 3 : i32
      %add3A_358 = arith.addi %mul3A_356, %add3A_357 : i32
      %get3A_359 = arith.index_cast %add3A_358 : i32 to index
      %get3A_360 = tpu.vector_load %arg5[%get3A_359] {strides = array<i32>} : memref<528xi32, #tpu.memory_space<vmem>>, vector<16xi32>,
      %slice3A_361 = vector.extract_strided_slice %get3A_360 {offsets = [0], sizes = [1], strides = [1]} : vector<16xi32> to vector<1xi32>
      %squeeze3A_362 = vector.extract %slice3A_361[0] : i32 from vector<1xi32>
      %dma_wait3A_363 = arith.constant 3 : i32
      %dma_wait3A_364 = arith.constant 3 : i32
      %dma_wait3A_365 = arith.constant 0 : i32
      %dma_wait3A_366 = arith.constant 0 : i32
      %dma_wait3A_367 = tpu.memref_slice %arg6[%dma_wait3A_363, %dma_wait3A_365, %dma_wait3A_366] : memref<8x32x128xf32, #tpu.memory_space<vmem>> -> memref<1x32x128xf32, #tpu.memory_space<vmem>>
      %dma_wait3A_368 = tpu.memref_squeeze %dma_wait3A_367 : memref<1x32x128xf32, #tpu.memory_space<vmem>> -> memref<32x128xf32, #tpu.memory_space<vmem>>
      %dma_wait3A_369 = arith.constant 0 : i32
      %dma_wait3A_370 = arith.constant 0 : i32
      %dma_wait3A_371 = tpu.memref_slice %arg2[%dma_wait3A_369, %dma_wait3A_370] : memref<32x1000000xf32, #tpu.memory_space<hbm>> -> memref<32x128xf32, #tpu.memory_space<hbm>>
      %dma_wait3A_372 = tpu.memref_slice %arg9[%dma_wait3A_364] : memref<8x!tpu.dma_semaphore, #tpu.memory_space<semaphore_mem>> -> memref<1x!tpu.dma_semaphore, #tpu.memory_space<semaphore_mem>>
      %dma_wait3A_373 = tpu.memref_squeeze %dma_wait3A_372 : memref<1x!tpu.dma_semaphore, #tpu.memory_space<semaphore_mem>> -> memref<!tpu.dma_semaphore, #tpu.memory_space<semaphore_mem>>
      %dma_wait3A_374 = arith.constant 0 : i32
      %dma_wait3A_375 = arith.constant 0 : i32
      %dma_wait3A_376 = tpu.memref_slice %arg6[%dma_wait3A_363, %dma_wait3A_374, %dma_wait3A_375] : memref<8x32x128xf32, #tpu.memory_space<vmem>> -> memref<1x32x128xf32, #tpu.memory_space<vmem>>
      %dma_wait3A_377 = tpu.memref_squeeze %dma_wait3A_376 : memref<1x32x128xf32, #tpu.memory_space<vmem>> -> memref<32x128xf32, #tpu.memory_space<vmem>>
      %dma_wait3A_378 = arith.constant 0 : i32
      %dma_wait3A_379 = arith.constant 0 : i32
      %dma_wait3A_380 = tpu.memref_slice %arg2[%dma_wait3A_378, %dma_wait3A_379] : memref<32x1000000xf32, #tpu.memory_space<hbm>> -> memref<32x128xf32, #tpu.memory_space<hbm>>
      tpu.wait_dma2 semaphore(%dma_wait3A_373 : memref<!tpu.dma_semaphore, #tpu.memory_space<semaphore_mem>>) src(%dma_wait3A_380 : memref<32x128xf32, #tpu.memory_space<hbm>>) dst(%dma_wait3A_377 : memref<32x128xf32, #tpu.memory_space<vmem>>)
      %broadcast_in_dim3A_381 = arith.constant 0 : i32
      %broadcast_in_dim3A_382 = vector.broadcast %broadcast_in_dim3A_381 : i32 to vector<16xi32>
      %add3A_383 = vector.broadcast %add3A_358 : i32 to vector<16xi32>
      %add3A_384 = arith.addi %broadcast_in_dim3A_382, %add3A_383 : vector<16xi32>
      %lt3A_385 = arith.constant 999936 : i32
      %lt3A_386 = arith.cmpi slt, %squeeze3A_362, %lt3A_385 : i32
      %convert_element_type3A_387 = arith.extui %lt3A_386 : i1 to i32
      %cond3A_388 = arith.constant 0 : i32
      %cond3A_389 = arith.cmpi ne, %convert_element_type3A_387, %cond3A_388 : i32
      scf.if %cond3A_389 {
        %broadcast_in_dim3A_590 = arith.constant 0 : i32
        %broadcast_in_dim3A_591 = vector.broadcast %broadcast_in_dim3A_590 : i32 to vector<16xi32>
        %shift_right_logical3A_592 = arith.constant 7 : i32
        %shift_right_logical3A_593 = arith.shrui %squeeze3A_362, %shift_right_logical3A_592 : i32
        %shift_left3A_594 = arith.constant 7 : i32
        %shift_left3A_595 = arith.shli %shift_right_logical3A_593, %shift_left3A_594 : i32
        %min3A_596 = arith.constant 999808 : i32
        %min3A_597 = arith.minsi %shift_left3A_595, %min3A_596 : i32
        %multiple_of3A_598 = tpu.assume_multiple %min3A_597, 128 : i32
        %sub3A = arith.subi %squeeze3A_362, %multiple_of3A_598 : i32
        %add3A_599 = vector.broadcast %sub3A : i32 to vector<16xi32>
        %add3A_600 = arith.addi %broadcast_in_dim3A_591, %add3A_599 : vector<16xi32>
        %gather3A = arith.constant 3 : i32
        %gather3A_601 = arith.constant 0 : i32
        %gather3A_602 = arith.constant 0 : i32
        %gather3A_603 = tpu.memref_slice %arg6[%gather3A, %gather3A_601, %gather3A_602] : memref<8x32x128xf32, #tpu.memory_space<vmem>> -> memref<1x32x128xf32, #tpu.memory_space<vmem>>
        %gather3A_604 = tpu.memref_squeeze %gather3A_603 : memref<1x32x128xf32, #tpu.memory_space<vmem>> -> memref<32x128xf32, #tpu.memory_space<vmem>>
        %gather3A_605 = tpu.vector_load_idx %gather3A_604[%iota3A, %add3A_600] : memref<32x128xf32, #tpu.memory_space<vmem>>[vector<16xi32>, vector<16xi32>], vector<16xf32>,
        %gather3A_606 = arith.constant 3 : i32
        %gather3A_607 = arith.constant 0 : i32
        %gather3A_608 = arith.constant 0 : i32
        %gather3A_609 = tpu.memref_slice %arg6[%gather3A_606, %gather3A_607, %gather3A_608] : memref<8x32x128xf32, #tpu.memory_space<vmem>> -> memref<1x32x128xf32, #tpu.memory_space<vmem>>
        %gather3A_610 = tpu.memref_squeeze %gather3A_609 : memref<1x32x128xf32, #tpu.memory_space<vmem>> -> memref<32x128xf32, #tpu.memory_space<vmem>>
        %gather3A_611 = tpu.vector_load_idx %gather3A_610[%add3A_5, %add3A_600] : memref<32x128xf32, #tpu.memory_space<vmem>>[vector<16xi32>, vector<16xi32>], vector<16xf32>,
        tpu.vector_store_idx %arg8[%iota3A, %add3A_384], %gather3A_605 : memref<32x512xf32, #tpu.memory_space<vmem>>[vector<16xi32>, vector<16xi32>], vector<16xf32>,
        tpu.vector_store_idx %arg8[%add3A_5, %add3A_384], %gather3A_611 : memref<32x512xf32, #tpu.memory_space<vmem>>[vector<16xi32>, vector<16xi32>], vector<16xf32>,
      } else {
      }
      %ge3A_390 = arith.constant 999936 : i32
      %ge3A_391 = arith.cmpi sge, %squeeze3A_362, %ge3A_390 : i32
      %convert_element_type3A_392 = arith.extui %ge3A_391 : i1 to i32
      %cond3A_393 = arith.constant 0 : i32
      %cond3A_394 = arith.cmpi ne, %convert_element_type3A_392, %cond3A_393 : i32
      scf.if %cond3A_394 {
        %broadcast_in_dim3A_590 = arith.constant 0 : i32
        %broadcast_in_dim3A_591 = vector.broadcast %broadcast_in_dim3A_590 : i32 to vector<16xi32>
        %sub3A = arith.constant 999936 : i32
        %sub3A_592 = arith.subi %squeeze3A_362, %sub3A : i32
        %add3A_593 = vector.broadcast %sub3A_592 : i32 to vector<16xi32>
        %add3A_594 = arith.addi %broadcast_in_dim3A_591, %add3A_593 : vector<16xi32>
        %gather3A = tpu.vector_load_idx %arg7[%iota3A, %add3A_594] : memref<32x64xf32, #tpu.memory_space<vmem>>[vector<16xi32>, vector<16xi32>], vector<16xf32>,
        %gather3A_595 = tpu.vector_load_idx %arg7[%add3A_5, %add3A_594] : memref<32x64xf32, #tpu.memory_space<vmem>>[vector<16xi32>, vector<16xi32>], vector<16xf32>,
        tpu.vector_store_idx %arg8[%iota3A, %add3A_384], %gather3A : memref<32x512xf32, #tpu.memory_space<vmem>>[vector<16xi32>, vector<16xi32>], vector<16xf32>,
        tpu.vector_store_idx %arg8[%add3A_5, %add3A_384], %gather3A_595 : memref<32x512xf32, #tpu.memory_space<vmem>>[vector<16xi32>, vector<16xi32>], vector<16xf32>,
      } else {
      }
      %add3A_395 = arith.constant 8 : i32
      %add3A_396 = arith.addi %add3A_358, %add3A_395 : i32
      %lt3A_397 = arith.constant 512 : i32
      %lt3A_398 = arith.cmpi slt, %add3A_396, %lt3A_397 : i32
      %convert_element_type3A_399 = arith.extui %lt3A_398 : i1 to i32
      %cond3A_400 = arith.constant 0 : i32
      %cond3A_401 = arith.cmpi ne, %convert_element_type3A_399, %cond3A_400 : i32
      scf.if %cond3A_401 {
        %get3A_590 = arith.index_cast %add3A_396 : i32 to index
        %get3A_591 = tpu.vector_load %arg5[%get3A_590] {strides = array<i32>} : memref<528xi32, #tpu.memory_space<vmem>>, vector<16xi32>,
        %slice3A_592 = vector.extract_strided_slice %get3A_591 {offsets = [0], sizes = [1], strides = [1]} : vector<16xi32> to vector<1xi32>
        %squeeze3A_593 = vector.extract %slice3A_592[0] : i32 from vector<1xi32>
        %shift_right_logical3A_594 = arith.constant 7 : i32
        %shift_right_logical3A_595 = arith.shrui %squeeze3A_593, %shift_right_logical3A_594 : i32
        %shift_left3A_596 = arith.constant 7 : i32
        %shift_left3A_597 = arith.shli %shift_right_logical3A_595, %shift_left3A_596 : i32
        %min3A_598 = arith.constant 999808 : i32
        %min3A_599 = arith.minsi %shift_left3A_597, %min3A_598 : i32
        %multiple_of3A_600 = tpu.assume_multiple %min3A_599, 128 : i32
        %dma_start3A_601 = arith.constant 3 : i32
        %dma_start3A_602 = arith.constant 3 : i32
        %dma_start3A_603 = arith.constant 0 : i32
        %dma_start3A_604 = arith.constant 0 : i32
        %dma_start3A_605 = tpu.memref_slice %arg6[%dma_start3A_601, %dma_start3A_603, %dma_start3A_604] : memref<8x32x128xf32, #tpu.memory_space<vmem>> -> memref<1x32x128xf32, #tpu.memory_space<vmem>>
        %dma_start3A_606 = tpu.memref_squeeze %dma_start3A_605 : memref<1x32x128xf32, #tpu.memory_space<vmem>> -> memref<32x128xf32, #tpu.memory_space<vmem>>
        %dma_start3A_607 = arith.constant 0 : i32
        %dma_start3A_608 = tpu.memref_slice %arg2[%dma_start3A_607, %multiple_of3A_600] : memref<32x1000000xf32, #tpu.memory_space<hbm>> -> memref<32x128xf32, #tpu.memory_space<hbm>>
        %dma_start3A_609 = tpu.memref_slice %arg9[%dma_start3A_602] : memref<8x!tpu.dma_semaphore, #tpu.memory_space<semaphore_mem>> -> memref<1x!tpu.dma_semaphore, #tpu.memory_space<semaphore_mem>>
        %dma_start3A_610 = tpu.memref_squeeze %dma_start3A_609 : memref<1x!tpu.dma_semaphore, #tpu.memory_space<semaphore_mem>> -> memref<!tpu.dma_semaphore, #tpu.memory_space<semaphore_mem>>
        %dma_start3A_611 = arith.constant 0 : i32
        %dma_start3A_612 = arith.constant 0 : i32
        %dma_start3A_613 = tpu.memref_slice %arg6[%dma_start3A_601, %dma_start3A_611, %dma_start3A_612] : memref<8x32x128xf32, #tpu.memory_space<vmem>> -> memref<1x32x128xf32, #tpu.memory_space<vmem>>
        %dma_start3A_614 = tpu.memref_squeeze %dma_start3A_613 : memref<1x32x128xf32, #tpu.memory_space<vmem>> -> memref<32x128xf32, #tpu.memory_space<vmem>>
        %dma_start3A_615 = arith.constant 0 : i32
        %dma_start3A_616 = tpu.memref_slice %arg2[%dma_start3A_615, %multiple_of3A_600] : memref<32x1000000xf32, #tpu.memory_space<hbm>> -> memref<32x128xf32, #tpu.memory_space<hbm>>
        tpu.enqueue_dma source(%dma_start3A_616 : memref<32x128xf32, #tpu.memory_space<hbm>>) target(%dma_start3A_614 : memref<32x128xf32, #tpu.memory_space<vmem>>) target_semaphore(%dma_start3A_610 : memref<!tpu.dma_semaphore, #tpu.memory_space<semaphore_mem>>)
      } else {
      }
      %mul3A_402 = arith.constant 8 : i32
      %mul3A_403 = arith.muli %scan3A_219, %mul3A_402 : i32
      %add3A_404 = arith.constant 4 : i32
      %add3A_405 = arith.addi %mul3A_403, %add3A_404 : i32
      %get3A_406 = arith.index_cast %add3A_405 : i32 to index
      %get3A_407 = tpu.vector_load %arg5[%get3A_406] {strides = array<i32>} : memref<528xi32, #tpu.memory_space<vmem>>, vector<16xi32>,
      %slice3A_408 = vector.extract_strided_slice %get3A_407 {offsets = [0], sizes = [1], strides = [1]} : vector<16xi32> to vector<1xi32>
      %squeeze3A_409 = vector.extract %slice3A_408[0] : i32 from vector<1xi32>
      %dma_wait3A_410 = arith.constant 4 : i32
      %dma_wait3A_411 = arith.constant 4 : i32
      %dma_wait3A_412 = arith.constant 0 : i32
      %dma_wait3A_413 = arith.constant 0 : i32
      %dma_wait3A_414 = tpu.memref_slice %arg6[%dma_wait3A_410, %dma_wait3A_412, %dma_wait3A_413] : memref<8x32x128xf32, #tpu.memory_space<vmem>> -> memref<1x32x128xf32, #tpu.memory_space<vmem>>
      %dma_wait3A_415 = tpu.memref_squeeze %dma_wait3A_414 : memref<1x32x128xf32, #tpu.memory_space<vmem>> -> memref<32x128xf32, #tpu.memory_space<vmem>>
      %dma_wait3A_416 = arith.constant 0 : i32
      %dma_wait3A_417 = arith.constant 0 : i32
      %dma_wait3A_418 = tpu.memref_slice %arg2[%dma_wait3A_416, %dma_wait3A_417] : memref<32x1000000xf32, #tpu.memory_space<hbm>> -> memref<32x128xf32, #tpu.memory_space<hbm>>
      %dma_wait3A_419 = tpu.memref_slice %arg9[%dma_wait3A_411] : memref<8x!tpu.dma_semaphore, #tpu.memory_space<semaphore_mem>> -> memref<1x!tpu.dma_semaphore, #tpu.memory_space<semaphore_mem>>
      %dma_wait3A_420 = tpu.memref_squeeze %dma_wait3A_419 : memref<1x!tpu.dma_semaphore, #tpu.memory_space<semaphore_mem>> -> memref<!tpu.dma_semaphore, #tpu.memory_space<semaphore_mem>>
      %dma_wait3A_421 = arith.constant 0 : i32
      %dma_wait3A_422 = arith.constant 0 : i32
      %dma_wait3A_423 = tpu.memref_slice %arg6[%dma_wait3A_410, %dma_wait3A_421, %dma_wait3A_422] : memref<8x32x128xf32, #tpu.memory_space<vmem>> -> memref<1x32x128xf32, #tpu.memory_space<vmem>>
      %dma_wait3A_424 = tpu.memref_squeeze %dma_wait3A_423 : memref<1x32x128xf32, #tpu.memory_space<vmem>> -> memref<32x128xf32, #tpu.memory_space<vmem>>
      %dma_wait3A_425 = arith.constant 0 : i32
      %dma_wait3A_426 = arith.constant 0 : i32
      %dma_wait3A_427 = tpu.memref_slice %arg2[%dma_wait3A_425, %dma_wait3A_426] : memref<32x1000000xf32, #tpu.memory_space<hbm>> -> memref<32x128xf32, #tpu.memory_space<hbm>>
      tpu.wait_dma2 semaphore(%dma_wait3A_420 : memref<!tpu.dma_semaphore, #tpu.memory_space<semaphore_mem>>) src(%dma_wait3A_427 : memref<32x128xf32, #tpu.memory_space<hbm>>) dst(%dma_wait3A_424 : memref<32x128xf32, #tpu.memory_space<vmem>>)
      %broadcast_in_dim3A_428 = arith.constant 0 : i32
      %broadcast_in_dim3A_429 = vector.broadcast %broadcast_in_dim3A_428 : i32 to vector<16xi32>
      %add3A_430 = vector.broadcast %add3A_405 : i32 to vector<16xi32>
      %add3A_431 = arith.addi %broadcast_in_dim3A_429, %add3A_430 : vector<16xi32>
      %lt3A_432 = arith.constant 999936 : i32
      %lt3A_433 = arith.cmpi slt, %squeeze3A_409, %lt3A_432 : i32
      %convert_element_type3A_434 = arith.extui %lt3A_433 : i1 to i32
      %cond3A_435 = arith.constant 0 : i32
      %cond3A_436 = arith.cmpi ne, %convert_element_type3A_434, %cond3A_435 : i32
      scf.if %cond3A_436 {
        %broadcast_in_dim3A_590 = arith.constant 0 : i32
        %broadcast_in_dim3A_591 = vector.broadcast %broadcast_in_dim3A_590 : i32 to vector<16xi32>
        %shift_right_logical3A_592 = arith.constant 7 : i32
        %shift_right_logical3A_593 = arith.shrui %squeeze3A_409, %shift_right_logical3A_592 : i32
        %shift_left3A_594 = arith.constant 7 : i32
        %shift_left3A_595 = arith.shli %shift_right_logical3A_593, %shift_left3A_594 : i32
        %min3A_596 = arith.constant 999808 : i32
        %min3A_597 = arith.minsi %shift_left3A_595, %min3A_596 : i32
        %multiple_of3A_598 = tpu.assume_multiple %min3A_597, 128 : i32
        %sub3A = arith.subi %squeeze3A_409, %multiple_of3A_598 : i32
        %add3A_599 = vector.broadcast %sub3A : i32 to vector<16xi32>
        %add3A_600 = arith.addi %broadcast_in_dim3A_591, %add3A_599 : vector<16xi32>
        %gather3A = arith.constant 4 : i32
        %gather3A_601 = arith.constant 0 : i32
        %gather3A_602 = arith.constant 0 : i32
        %gather3A_603 = tpu.memref_slice %arg6[%gather3A, %gather3A_601, %gather3A_602] : memref<8x32x128xf32, #tpu.memory_space<vmem>> -> memref<1x32x128xf32, #tpu.memory_space<vmem>>
        %gather3A_604 = tpu.memref_squeeze %gather3A_603 : memref<1x32x128xf32, #tpu.memory_space<vmem>> -> memref<32x128xf32, #tpu.memory_space<vmem>>
        %gather3A_605 = tpu.vector_load_idx %gather3A_604[%iota3A, %add3A_600] : memref<32x128xf32, #tpu.memory_space<vmem>>[vector<16xi32>, vector<16xi32>], vector<16xf32>,
        %gather3A_606 = arith.constant 4 : i32
        %gather3A_607 = arith.constant 0 : i32
        %gather3A_608 = arith.constant 0 : i32
        %gather3A_609 = tpu.memref_slice %arg6[%gather3A_606, %gather3A_607, %gather3A_608] : memref<8x32x128xf32, #tpu.memory_space<vmem>> -> memref<1x32x128xf32, #tpu.memory_space<vmem>>
        %gather3A_610 = tpu.memref_squeeze %gather3A_609 : memref<1x32x128xf32, #tpu.memory_space<vmem>> -> memref<32x128xf32, #tpu.memory_space<vmem>>
        %gather3A_611 = tpu.vector_load_idx %gather3A_610[%add3A_5, %add3A_600] : memref<32x128xf32, #tpu.memory_space<vmem>>[vector<16xi32>, vector<16xi32>], vector<16xf32>,
        tpu.vector_store_idx %arg8[%iota3A, %add3A_431], %gather3A_605 : memref<32x512xf32, #tpu.memory_space<vmem>>[vector<16xi32>, vector<16xi32>], vector<16xf32>,
        tpu.vector_store_idx %arg8[%add3A_5, %add3A_431], %gather3A_611 : memref<32x512xf32, #tpu.memory_space<vmem>>[vector<16xi32>, vector<16xi32>], vector<16xf32>,
      } else {
      }
      %ge3A_437 = arith.constant 999936 : i32
      %ge3A_438 = arith.cmpi sge, %squeeze3A_409, %ge3A_437 : i32
      %convert_element_type3A_439 = arith.extui %ge3A_438 : i1 to i32
      %cond3A_440 = arith.constant 0 : i32
      %cond3A_441 = arith.cmpi ne, %convert_element_type3A_439, %cond3A_440 : i32
      scf.if %cond3A_441 {
        %broadcast_in_dim3A_590 = arith.constant 0 : i32
        %broadcast_in_dim3A_591 = vector.broadcast %broadcast_in_dim3A_590 : i32 to vector<16xi32>
        %sub3A = arith.constant 999936 : i32
        %sub3A_592 = arith.subi %squeeze3A_409, %sub3A : i32
        %add3A_593 = vector.broadcast %sub3A_592 : i32 to vector<16xi32>
        %add3A_594 = arith.addi %broadcast_in_dim3A_591, %add3A_593 : vector<16xi32>
        %gather3A = tpu.vector_load_idx %arg7[%iota3A, %add3A_594] : memref<32x64xf32, #tpu.memory_space<vmem>>[vector<16xi32>, vector<16xi32>], vector<16xf32>,
        %gather3A_595 = tpu.vector_load_idx %arg7[%add3A_5, %add3A_594] : memref<32x64xf32, #tpu.memory_space<vmem>>[vector<16xi32>, vector<16xi32>], vector<16xf32>,
        tpu.vector_store_idx %arg8[%iota3A, %add3A_431], %gather3A : memref<32x512xf32, #tpu.memory_space<vmem>>[vector<16xi32>, vector<16xi32>], vector<16xf32>,
        tpu.vector_store_idx %arg8[%add3A_5, %add3A_431], %gather3A_595 : memref<32x512xf32, #tpu.memory_space<vmem>>[vector<16xi32>, vector<16xi32>], vector<16xf32>,
      } else {
      }
      %add3A_442 = arith.constant 8 : i32
      %add3A_443 = arith.addi %add3A_405, %add3A_442 : i32
      %lt3A_444 = arith.constant 512 : i32
      %lt3A_445 = arith.cmpi slt, %add3A_443, %lt3A_444 : i32
      %convert_element_type3A_446 = arith.extui %lt3A_445 : i1 to i32
      %cond3A_447 = arith.constant 0 : i32
      %cond3A_448 = arith.cmpi ne, %convert_element_type3A_446, %cond3A_447 : i32
      scf.if %cond3A_448 {
        %get3A_590 = arith.index_cast %add3A_443 : i32 to index
        %get3A_591 = tpu.vector_load %arg5[%get3A_590] {strides = array<i32>} : memref<528xi32, #tpu.memory_space<vmem>>, vector<16xi32>,
        %slice3A_592 = vector.extract_strided_slice %get3A_591 {offsets = [0], sizes = [1], strides = [1]} : vector<16xi32> to vector<1xi32>
        %squeeze3A_593 = vector.extract %slice3A_592[0] : i32 from vector<1xi32>
        %shift_right_logical3A_594 = arith.constant 7 : i32
        %shift_right_logical3A_595 = arith.shrui %squeeze3A_593, %shift_right_logical3A_594 : i32
        %shift_left3A_596 = arith.constant 7 : i32
        %shift_left3A_597 = arith.shli %shift_right_logical3A_595, %shift_left3A_596 : i32
        %min3A_598 = arith.constant 999808 : i32
        %min3A_599 = arith.minsi %shift_left3A_597, %min3A_598 : i32
        %multiple_of3A_600 = tpu.assume_multiple %min3A_599, 128 : i32
        %dma_start3A_601 = arith.constant 4 : i32
        %dma_start3A_602 = arith.constant 4 : i32
        %dma_start3A_603 = arith.constant 0 : i32
        %dma_start3A_604 = arith.constant 0 : i32
        %dma_start3A_605 = tpu.memref_slice %arg6[%dma_start3A_601, %dma_start3A_603, %dma_start3A_604] : memref<8x32x128xf32, #tpu.memory_space<vmem>> -> memref<1x32x128xf32, #tpu.memory_space<vmem>>
        %dma_start3A_606 = tpu.memref_squeeze %dma_start3A_605 : memref<1x32x128xf32, #tpu.memory_space<vmem>> -> memref<32x128xf32, #tpu.memory_space<vmem>>
        %dma_start3A_607 = arith.constant 0 : i32
        %dma_start3A_608 = tpu.memref_slice %arg2[%dma_start3A_607, %multiple_of3A_600] : memref<32x1000000xf32, #tpu.memory_space<hbm>> -> memref<32x128xf32, #tpu.memory_space<hbm>>
        %dma_start3A_609 = tpu.memref_slice %arg9[%dma_start3A_602] : memref<8x!tpu.dma_semaphore, #tpu.memory_space<semaphore_mem>> -> memref<1x!tpu.dma_semaphore, #tpu.memory_space<semaphore_mem>>
        %dma_start3A_610 = tpu.memref_squeeze %dma_start3A_609 : memref<1x!tpu.dma_semaphore, #tpu.memory_space<semaphore_mem>> -> memref<!tpu.dma_semaphore, #tpu.memory_space<semaphore_mem>>
        %dma_start3A_611 = arith.constant 0 : i32
        %dma_start3A_612 = arith.constant 0 : i32
        %dma_start3A_613 = tpu.memref_slice %arg6[%dma_start3A_601, %dma_start3A_611, %dma_start3A_612] : memref<8x32x128xf32, #tpu.memory_space<vmem>> -> memref<1x32x128xf32, #tpu.memory_space<vmem>>
        %dma_start3A_614 = tpu.memref_squeeze %dma_start3A_613 : memref<1x32x128xf32, #tpu.memory_space<vmem>> -> memref<32x128xf32, #tpu.memory_space<vmem>>
        %dma_start3A_615 = arith.constant 0 : i32
        %dma_start3A_616 = tpu.memref_slice %arg2[%dma_start3A_615, %multiple_of3A_600] : memref<32x1000000xf32, #tpu.memory_space<hbm>> -> memref<32x128xf32, #tpu.memory_space<hbm>>
        tpu.enqueue_dma source(%dma_start3A_616 : memref<32x128xf32, #tpu.memory_space<hbm>>) target(%dma_start3A_614 : memref<32x128xf32, #tpu.memory_space<vmem>>) target_semaphore(%dma_start3A_610 : memref<!tpu.dma_semaphore, #tpu.memory_space<semaphore_mem>>)
      } else {
      }
      %mul3A_449 = arith.constant 8 : i32
      %mul3A_450 = arith.muli %scan3A_219, %mul3A_449 : i32
      %add3A_451 = arith.constant 5 : i32
      %add3A_452 = arith.addi %mul3A_450, %add3A_451 : i32
      %get3A_453 = arith.index_cast %add3A_452 : i32 to index
      %get3A_454 = tpu.vector_load %arg5[%get3A_453] {strides = array<i32>} : memref<528xi32, #tpu.memory_space<vmem>>, vector<16xi32>,
      %slice3A_455 = vector.extract_strided_slice %get3A_454 {offsets = [0], sizes = [1], strides = [1]} : vector<16xi32> to vector<1xi32>
      %squeeze3A_456 = vector.extract %slice3A_455[0] : i32 from vector<1xi32>
      %dma_wait3A_457 = arith.constant 5 : i32
      %dma_wait3A_458 = arith.constant 5 : i32
      %dma_wait3A_459 = arith.constant 0 : i32
      %dma_wait3A_460 = arith.constant 0 : i32
      %dma_wait3A_461 = tpu.memref_slice %arg6[%dma_wait3A_457, %dma_wait3A_459, %dma_wait3A_460] : memref<8x32x128xf32, #tpu.memory_space<vmem>> -> memref<1x32x128xf32, #tpu.memory_space<vmem>>
      %dma_wait3A_462 = tpu.memref_squeeze %dma_wait3A_461 : memref<1x32x128xf32, #tpu.memory_space<vmem>> -> memref<32x128xf32, #tpu.memory_space<vmem>>
      %dma_wait3A_463 = arith.constant 0 : i32
      %dma_wait3A_464 = arith.constant 0 : i32
      %dma_wait3A_465 = tpu.memref_slice %arg2[%dma_wait3A_463, %dma_wait3A_464] : memref<32x1000000xf32, #tpu.memory_space<hbm>> -> memref<32x128xf32, #tpu.memory_space<hbm>>
      %dma_wait3A_466 = tpu.memref_slice %arg9[%dma_wait3A_458] : memref<8x!tpu.dma_semaphore, #tpu.memory_space<semaphore_mem>> -> memref<1x!tpu.dma_semaphore, #tpu.memory_space<semaphore_mem>>
      %dma_wait3A_467 = tpu.memref_squeeze %dma_wait3A_466 : memref<1x!tpu.dma_semaphore, #tpu.memory_space<semaphore_mem>> -> memref<!tpu.dma_semaphore, #tpu.memory_space<semaphore_mem>>
      %dma_wait3A_468 = arith.constant 0 : i32
      %dma_wait3A_469 = arith.constant 0 : i32
      %dma_wait3A_470 = tpu.memref_slice %arg6[%dma_wait3A_457, %dma_wait3A_468, %dma_wait3A_469] : memref<8x32x128xf32, #tpu.memory_space<vmem>> -> memref<1x32x128xf32, #tpu.memory_space<vmem>>
      %dma_wait3A_471 = tpu.memref_squeeze %dma_wait3A_470 : memref<1x32x128xf32, #tpu.memory_space<vmem>> -> memref<32x128xf32, #tpu.memory_space<vmem>>
      %dma_wait3A_472 = arith.constant 0 : i32
      %dma_wait3A_473 = arith.constant 0 : i32
      %dma_wait3A_474 = tpu.memref_slice %arg2[%dma_wait3A_472, %dma_wait3A_473] : memref<32x1000000xf32, #tpu.memory_space<hbm>> -> memref<32x128xf32, #tpu.memory_space<hbm>>
      tpu.wait_dma2 semaphore(%dma_wait3A_467 : memref<!tpu.dma_semaphore, #tpu.memory_space<semaphore_mem>>) src(%dma_wait3A_474 : memref<32x128xf32, #tpu.memory_space<hbm>>) dst(%dma_wait3A_471 : memref<32x128xf32, #tpu.memory_space<vmem>>)
      %broadcast_in_dim3A_475 = arith.constant 0 : i32
      %broadcast_in_dim3A_476 = vector.broadcast %broadcast_in_dim3A_475 : i32 to vector<16xi32>
      %add3A_477 = vector.broadcast %add3A_452 : i32 to vector<16xi32>
      %add3A_478 = arith.addi %broadcast_in_dim3A_476, %add3A_477 : vector<16xi32>
      %lt3A_479 = arith.constant 999936 : i32
      %lt3A_480 = arith.cmpi slt, %squeeze3A_456, %lt3A_479 : i32
      %convert_element_type3A_481 = arith.extui %lt3A_480 : i1 to i32
      %cond3A_482 = arith.constant 0 : i32
      %cond3A_483 = arith.cmpi ne, %convert_element_type3A_481, %cond3A_482 : i32
      scf.if %cond3A_483 {
        %broadcast_in_dim3A_590 = arith.constant 0 : i32
        %broadcast_in_dim3A_591 = vector.broadcast %broadcast_in_dim3A_590 : i32 to vector<16xi32>
        %shift_right_logical3A_592 = arith.constant 7 : i32
        %shift_right_logical3A_593 = arith.shrui %squeeze3A_456, %shift_right_logical3A_592 : i32
        %shift_left3A_594 = arith.constant 7 : i32
        %shift_left3A_595 = arith.shli %shift_right_logical3A_593, %shift_left3A_594 : i32
        %min3A_596 = arith.constant 999808 : i32
        %min3A_597 = arith.minsi %shift_left3A_595, %min3A_596 : i32
        %multiple_of3A_598 = tpu.assume_multiple %min3A_597, 128 : i32
        %sub3A = arith.subi %squeeze3A_456, %multiple_of3A_598 : i32
        %add3A_599 = vector.broadcast %sub3A : i32 to vector<16xi32>
        %add3A_600 = arith.addi %broadcast_in_dim3A_591, %add3A_599 : vector<16xi32>
        %gather3A = arith.constant 5 : i32
        %gather3A_601 = arith.constant 0 : i32
        %gather3A_602 = arith.constant 0 : i32
        %gather3A_603 = tpu.memref_slice %arg6[%gather3A, %gather3A_601, %gather3A_602] : memref<8x32x128xf32, #tpu.memory_space<vmem>> -> memref<1x32x128xf32, #tpu.memory_space<vmem>>
        %gather3A_604 = tpu.memref_squeeze %gather3A_603 : memref<1x32x128xf32, #tpu.memory_space<vmem>> -> memref<32x128xf32, #tpu.memory_space<vmem>>
        %gather3A_605 = tpu.vector_load_idx %gather3A_604[%iota3A, %add3A_600] : memref<32x128xf32, #tpu.memory_space<vmem>>[vector<16xi32>, vector<16xi32>], vector<16xf32>,
        %gather3A_606 = arith.constant 5 : i32
        %gather3A_607 = arith.constant 0 : i32
        %gather3A_608 = arith.constant 0 : i32
        %gather3A_609 = tpu.memref_slice %arg6[%gather3A_606, %gather3A_607, %gather3A_608] : memref<8x32x128xf32, #tpu.memory_space<vmem>> -> memref<1x32x128xf32, #tpu.memory_space<vmem>>
        %gather3A_610 = tpu.memref_squeeze %gather3A_609 : memref<1x32x128xf32, #tpu.memory_space<vmem>> -> memref<32x128xf32, #tpu.memory_space<vmem>>
        %gather3A_611 = tpu.vector_load_idx %gather3A_610[%add3A_5, %add3A_600] : memref<32x128xf32, #tpu.memory_space<vmem>>[vector<16xi32>, vector<16xi32>], vector<16xf32>,
        tpu.vector_store_idx %arg8[%iota3A, %add3A_478], %gather3A_605 : memref<32x512xf32, #tpu.memory_space<vmem>>[vector<16xi32>, vector<16xi32>], vector<16xf32>,
        tpu.vector_store_idx %arg8[%add3A_5, %add3A_478], %gather3A_611 : memref<32x512xf32, #tpu.memory_space<vmem>>[vector<16xi32>, vector<16xi32>], vector<16xf32>,
      } else {
      }
      %ge3A_484 = arith.constant 999936 : i32
      %ge3A_485 = arith.cmpi sge, %squeeze3A_456, %ge3A_484 : i32
      %convert_element_type3A_486 = arith.extui %ge3A_485 : i1 to i32
      %cond3A_487 = arith.constant 0 : i32
      %cond3A_488 = arith.cmpi ne, %convert_element_type3A_486, %cond3A_487 : i32
      scf.if %cond3A_488 {
        %broadcast_in_dim3A_590 = arith.constant 0 : i32
        %broadcast_in_dim3A_591 = vector.broadcast %broadcast_in_dim3A_590 : i32 to vector<16xi32>
        %sub3A = arith.constant 999936 : i32
        %sub3A_592 = arith.subi %squeeze3A_456, %sub3A : i32
        %add3A_593 = vector.broadcast %sub3A_592 : i32 to vector<16xi32>
        %add3A_594 = arith.addi %broadcast_in_dim3A_591, %add3A_593 : vector<16xi32>
        %gather3A = tpu.vector_load_idx %arg7[%iota3A, %add3A_594] : memref<32x64xf32, #tpu.memory_space<vmem>>[vector<16xi32>, vector<16xi32>], vector<16xf32>,
        %gather3A_595 = tpu.vector_load_idx %arg7[%add3A_5, %add3A_594] : memref<32x64xf32, #tpu.memory_space<vmem>>[vector<16xi32>, vector<16xi32>], vector<16xf32>,
        tpu.vector_store_idx %arg8[%iota3A, %add3A_478], %gather3A : memref<32x512xf32, #tpu.memory_space<vmem>>[vector<16xi32>, vector<16xi32>], vector<16xf32>,
        tpu.vector_store_idx %arg8[%add3A_5, %add3A_478], %gather3A_595 : memref<32x512xf32, #tpu.memory_space<vmem>>[vector<16xi32>, vector<16xi32>], vector<16xf32>,
      } else {
      }
      %add3A_489 = arith.constant 8 : i32
      %add3A_490 = arith.addi %add3A_452, %add3A_489 : i32
      %lt3A_491 = arith.constant 512 : i32
      %lt3A_492 = arith.cmpi slt, %add3A_490, %lt3A_491 : i32
      %convert_element_type3A_493 = arith.extui %lt3A_492 : i1 to i32
      %cond3A_494 = arith.constant 0 : i32
      %cond3A_495 = arith.cmpi ne, %convert_element_type3A_493, %cond3A_494 : i32
      scf.if %cond3A_495 {
        %get3A_590 = arith.index_cast %add3A_490 : i32 to index
        %get3A_591 = tpu.vector_load %arg5[%get3A_590] {strides = array<i32>} : memref<528xi32, #tpu.memory_space<vmem>>, vector<16xi32>,
        %slice3A_592 = vector.extract_strided_slice %get3A_591 {offsets = [0], sizes = [1], strides = [1]} : vector<16xi32> to vector<1xi32>
        %squeeze3A_593 = vector.extract %slice3A_592[0] : i32 from vector<1xi32>
        %shift_right_logical3A_594 = arith.constant 7 : i32
        %shift_right_logical3A_595 = arith.shrui %squeeze3A_593, %shift_right_logical3A_594 : i32
        %shift_left3A_596 = arith.constant 7 : i32
        %shift_left3A_597 = arith.shli %shift_right_logical3A_595, %shift_left3A_596 : i32
        %min3A_598 = arith.constant 999808 : i32
        %min3A_599 = arith.minsi %shift_left3A_597, %min3A_598 : i32
        %multiple_of3A_600 = tpu.assume_multiple %min3A_599, 128 : i32
        %dma_start3A_601 = arith.constant 5 : i32
        %dma_start3A_602 = arith.constant 5 : i32
        %dma_start3A_603 = arith.constant 0 : i32
        %dma_start3A_604 = arith.constant 0 : i32
        %dma_start3A_605 = tpu.memref_slice %arg6[%dma_start3A_601, %dma_start3A_603, %dma_start3A_604] : memref<8x32x128xf32, #tpu.memory_space<vmem>> -> memref<1x32x128xf32, #tpu.memory_space<vmem>>
        %dma_start3A_606 = tpu.memref_squeeze %dma_start3A_605 : memref<1x32x128xf32, #tpu.memory_space<vmem>> -> memref<32x128xf32, #tpu.memory_space<vmem>>
        %dma_start3A_607 = arith.constant 0 : i32
        %dma_start3A_608 = tpu.memref_slice %arg2[%dma_start3A_607, %multiple_of3A_600] : memref<32x1000000xf32, #tpu.memory_space<hbm>> -> memref<32x128xf32, #tpu.memory_space<hbm>>
        %dma_start3A_609 = tpu.memref_slice %arg9[%dma_start3A_602] : memref<8x!tpu.dma_semaphore, #tpu.memory_space<semaphore_mem>> -> memref<1x!tpu.dma_semaphore, #tpu.memory_space<semaphore_mem>>
        %dma_start3A_610 = tpu.memref_squeeze %dma_start3A_609 : memref<1x!tpu.dma_semaphore, #tpu.memory_space<semaphore_mem>> -> memref<!tpu.dma_semaphore, #tpu.memory_space<semaphore_mem>>
        %dma_start3A_611 = arith.constant 0 : i32
        %dma_start3A_612 = arith.constant 0 : i32
        %dma_start3A_613 = tpu.memref_slice %arg6[%dma_start3A_601, %dma_start3A_611, %dma_start3A_612] : memref<8x32x128xf32, #tpu.memory_space<vmem>> -> memref<1x32x128xf32, #tpu.memory_space<vmem>>
        %dma_start3A_614 = tpu.memref_squeeze %dma_start3A_613 : memref<1x32x128xf32, #tpu.memory_space<vmem>> -> memref<32x128xf32, #tpu.memory_space<vmem>>
        %dma_start3A_615 = arith.constant 0 : i32
        %dma_start3A_616 = tpu.memref_slice %arg2[%dma_start3A_615, %multiple_of3A_600] : memref<32x1000000xf32, #tpu.memory_space<hbm>> -> memref<32x128xf32, #tpu.memory_space<hbm>>
        tpu.enqueue_dma source(%dma_start3A_616 : memref<32x128xf32, #tpu.memory_space<hbm>>) target(%dma_start3A_614 : memref<32x128xf32, #tpu.memory_space<vmem>>) target_semaphore(%dma_start3A_610 : memref<!tpu.dma_semaphore, #tpu.memory_space<semaphore_mem>>)
      } else {
      }
      %mul3A_496 = arith.constant 8 : i32
      %mul3A_497 = arith.muli %scan3A_219, %mul3A_496 : i32
      %add3A_498 = arith.constant 6 : i32
      %add3A_499 = arith.addi %mul3A_497, %add3A_498 : i32
      %get3A_500 = arith.index_cast %add3A_499 : i32 to index
      %get3A_501 = tpu.vector_load %arg5[%get3A_500] {strides = array<i32>} : memref<528xi32, #tpu.memory_space<vmem>>, vector<16xi32>,
      %slice3A_502 = vector.extract_strided_slice %get3A_501 {offsets = [0], sizes = [1], strides = [1]} : vector<16xi32> to vector<1xi32>
      %squeeze3A_503 = vector.extract %slice3A_502[0] : i32 from vector<1xi32>
      %dma_wait3A_504 = arith.constant 6 : i32
      %dma_wait3A_505 = arith.constant 6 : i32
      %dma_wait3A_506 = arith.constant 0 : i32
      %dma_wait3A_507 = arith.constant 0 : i32
      %dma_wait3A_508 = tpu.memref_slice %arg6[%dma_wait3A_504, %dma_wait3A_506, %dma_wait3A_507] : memref<8x32x128xf32, #tpu.memory_space<vmem>> -> memref<1x32x128xf32, #tpu.memory_space<vmem>>
      %dma_wait3A_509 = tpu.memref_squeeze %dma_wait3A_508 : memref<1x32x128xf32, #tpu.memory_space<vmem>> -> memref<32x128xf32, #tpu.memory_space<vmem>>
      %dma_wait3A_510 = arith.constant 0 : i32
      %dma_wait3A_511 = arith.constant 0 : i32
      %dma_wait3A_512 = tpu.memref_slice %arg2[%dma_wait3A_510, %dma_wait3A_511] : memref<32x1000000xf32, #tpu.memory_space<hbm>> -> memref<32x128xf32, #tpu.memory_space<hbm>>
      %dma_wait3A_513 = tpu.memref_slice %arg9[%dma_wait3A_505] : memref<8x!tpu.dma_semaphore, #tpu.memory_space<semaphore_mem>> -> memref<1x!tpu.dma_semaphore, #tpu.memory_space<semaphore_mem>>
      %dma_wait3A_514 = tpu.memref_squeeze %dma_wait3A_513 : memref<1x!tpu.dma_semaphore, #tpu.memory_space<semaphore_mem>> -> memref<!tpu.dma_semaphore, #tpu.memory_space<semaphore_mem>>
      %dma_wait3A_515 = arith.constant 0 : i32
      %dma_wait3A_516 = arith.constant 0 : i32
      %dma_wait3A_517 = tpu.memref_slice %arg6[%dma_wait3A_504, %dma_wait3A_515, %dma_wait3A_516] : memref<8x32x128xf32, #tpu.memory_space<vmem>> -> memref<1x32x128xf32, #tpu.memory_space<vmem>>
      %dma_wait3A_518 = tpu.memref_squeeze %dma_wait3A_517 : memref<1x32x128xf32, #tpu.memory_space<vmem>> -> memref<32x128xf32, #tpu.memory_space<vmem>>
      %dma_wait3A_519 = arith.constant 0 : i32
      %dma_wait3A_520 = arith.constant 0 : i32
      %dma_wait3A_521 = tpu.memref_slice %arg2[%dma_wait3A_519, %dma_wait3A_520] : memref<32x1000000xf32, #tpu.memory_space<hbm>> -> memref<32x128xf32, #tpu.memory_space<hbm>>
      tpu.wait_dma2 semaphore(%dma_wait3A_514 : memref<!tpu.dma_semaphore, #tpu.memory_space<semaphore_mem>>) src(%dma_wait3A_521 : memref<32x128xf32, #tpu.memory_space<hbm>>) dst(%dma_wait3A_518 : memref<32x128xf32, #tpu.memory_space<vmem>>)
      %broadcast_in_dim3A_522 = arith.constant 0 : i32
      %broadcast_in_dim3A_523 = vector.broadcast %broadcast_in_dim3A_522 : i32 to vector<16xi32>
      %add3A_524 = vector.broadcast %add3A_499 : i32 to vector<16xi32>
      %add3A_525 = arith.addi %broadcast_in_dim3A_523, %add3A_524 : vector<16xi32>
      %lt3A_526 = arith.constant 999936 : i32
      %lt3A_527 = arith.cmpi slt, %squeeze3A_503, %lt3A_526 : i32
      %convert_element_type3A_528 = arith.extui %lt3A_527 : i1 to i32
      %cond3A_529 = arith.constant 0 : i32
      %cond3A_530 = arith.cmpi ne, %convert_element_type3A_528, %cond3A_529 : i32
      scf.if %cond3A_530 {
        %broadcast_in_dim3A_590 = arith.constant 0 : i32
        %broadcast_in_dim3A_591 = vector.broadcast %broadcast_in_dim3A_590 : i32 to vector<16xi32>
        %shift_right_logical3A_592 = arith.constant 7 : i32
        %shift_right_logical3A_593 = arith.shrui %squeeze3A_503, %shift_right_logical3A_592 : i32
        %shift_left3A_594 = arith.constant 7 : i32
        %shift_left3A_595 = arith.shli %shift_right_logical3A_593, %shift_left3A_594 : i32
        %min3A_596 = arith.constant 999808 : i32
        %min3A_597 = arith.minsi %shift_left3A_595, %min3A_596 : i32
        %multiple_of3A_598 = tpu.assume_multiple %min3A_597, 128 : i32
        %sub3A = arith.subi %squeeze3A_503, %multiple_of3A_598 : i32
        %add3A_599 = vector.broadcast %sub3A : i32 to vector<16xi32>
        %add3A_600 = arith.addi %broadcast_in_dim3A_591, %add3A_599 : vector<16xi32>
        %gather3A = arith.constant 6 : i32
        %gather3A_601 = arith.constant 0 : i32
        %gather3A_602 = arith.constant 0 : i32
        %gather3A_603 = tpu.memref_slice %arg6[%gather3A, %gather3A_601, %gather3A_602] : memref<8x32x128xf32, #tpu.memory_space<vmem>> -> memref<1x32x128xf32, #tpu.memory_space<vmem>>
        %gather3A_604 = tpu.memref_squeeze %gather3A_603 : memref<1x32x128xf32, #tpu.memory_space<vmem>> -> memref<32x128xf32, #tpu.memory_space<vmem>>
        %gather3A_605 = tpu.vector_load_idx %gather3A_604[%iota3A, %add3A_600] : memref<32x128xf32, #tpu.memory_space<vmem>>[vector<16xi32>, vector<16xi32>], vector<16xf32>,
        %gather3A_606 = arith.constant 6 : i32
        %gather3A_607 = arith.constant 0 : i32
        %gather3A_608 = arith.constant 0 : i32
        %gather3A_609 = tpu.memref_slice %arg6[%gather3A_606, %gather3A_607, %gather3A_608] : memref<8x32x128xf32, #tpu.memory_space<vmem>> -> memref<1x32x128xf32, #tpu.memory_space<vmem>>
        %gather3A_610 = tpu.memref_squeeze %gather3A_609 : memref<1x32x128xf32, #tpu.memory_space<vmem>> -> memref<32x128xf32, #tpu.memory_space<vmem>>
        %gather3A_611 = tpu.vector_load_idx %gather3A_610[%add3A_5, %add3A_600] : memref<32x128xf32, #tpu.memory_space<vmem>>[vector<16xi32>, vector<16xi32>], vector<16xf32>,
        tpu.vector_store_idx %arg8[%iota3A, %add3A_525], %gather3A_605 : memref<32x512xf32, #tpu.memory_space<vmem>>[vector<16xi32>, vector<16xi32>], vector<16xf32>,
        tpu.vector_store_idx %arg8[%add3A_5, %add3A_525], %gather3A_611 : memref<32x512xf32, #tpu.memory_space<vmem>>[vector<16xi32>, vector<16xi32>], vector<16xf32>,
      } else {
      }
      %ge3A_531 = arith.constant 999936 : i32
      %ge3A_532 = arith.cmpi sge, %squeeze3A_503, %ge3A_531 : i32
      %convert_element_type3A_533 = arith.extui %ge3A_532 : i1 to i32
      %cond3A_534 = arith.constant 0 : i32
      %cond3A_535 = arith.cmpi ne, %convert_element_type3A_533, %cond3A_534 : i32
      scf.if %cond3A_535 {
        %broadcast_in_dim3A_590 = arith.constant 0 : i32
        %broadcast_in_dim3A_591 = vector.broadcast %broadcast_in_dim3A_590 : i32 to vector<16xi32>
        %sub3A = arith.constant 999936 : i32
        %sub3A_592 = arith.subi %squeeze3A_503, %sub3A : i32
        %add3A_593 = vector.broadcast %sub3A_592 : i32 to vector<16xi32>
        %add3A_594 = arith.addi %broadcast_in_dim3A_591, %add3A_593 : vector<16xi32>
        %gather3A = tpu.vector_load_idx %arg7[%iota3A, %add3A_594] : memref<32x64xf32, #tpu.memory_space<vmem>>[vector<16xi32>, vector<16xi32>], vector<16xf32>,
        %gather3A_595 = tpu.vector_load_idx %arg7[%add3A_5, %add3A_594] : memref<32x64xf32, #tpu.memory_space<vmem>>[vector<16xi32>, vector<16xi32>], vector<16xf32>,
        tpu.vector_store_idx %arg8[%iota3A, %add3A_525], %gather3A : memref<32x512xf32, #tpu.memory_space<vmem>>[vector<16xi32>, vector<16xi32>], vector<16xf32>,
        tpu.vector_store_idx %arg8[%add3A_5, %add3A_525], %gather3A_595 : memref<32x512xf32, #tpu.memory_space<vmem>>[vector<16xi32>, vector<16xi32>], vector<16xf32>,
      } else {
      }
      %add3A_536 = arith.constant 8 : i32
      %add3A_537 = arith.addi %add3A_499, %add3A_536 : i32
      %lt3A_538 = arith.constant 512 : i32
      %lt3A_539 = arith.cmpi slt, %add3A_537, %lt3A_538 : i32
      %convert_element_type3A_540 = arith.extui %lt3A_539 : i1 to i32
      %cond3A_541 = arith.constant 0 : i32
      %cond3A_542 = arith.cmpi ne, %convert_element_type3A_540, %cond3A_541 : i32
      scf.if %cond3A_542 {
        %get3A_590 = arith.index_cast %add3A_537 : i32 to index
        %get3A_591 = tpu.vector_load %arg5[%get3A_590] {strides = array<i32>} : memref<528xi32, #tpu.memory_space<vmem>>, vector<16xi32>,
        %slice3A_592 = vector.extract_strided_slice %get3A_591 {offsets = [0], sizes = [1], strides = [1]} : vector<16xi32> to vector<1xi32>
        %squeeze3A_593 = vector.extract %slice3A_592[0] : i32 from vector<1xi32>
        %shift_right_logical3A_594 = arith.constant 7 : i32
        %shift_right_logical3A_595 = arith.shrui %squeeze3A_593, %shift_right_logical3A_594 : i32
        %shift_left3A_596 = arith.constant 7 : i32
        %shift_left3A_597 = arith.shli %shift_right_logical3A_595, %shift_left3A_596 : i32
        %min3A_598 = arith.constant 999808 : i32
        %min3A_599 = arith.minsi %shift_left3A_597, %min3A_598 : i32
        %multiple_of3A_600 = tpu.assume_multiple %min3A_599, 128 : i32
        %dma_start3A_601 = arith.constant 6 : i32
        %dma_start3A_602 = arith.constant 6 : i32
        %dma_start3A_603 = arith.constant 0 : i32
        %dma_start3A_604 = arith.constant 0 : i32
        %dma_start3A_605 = tpu.memref_slice %arg6[%dma_start3A_601, %dma_start3A_603, %dma_start3A_604] : memref<8x32x128xf32, #tpu.memory_space<vmem>> -> memref<1x32x128xf32, #tpu.memory_space<vmem>>
        %dma_start3A_606 = tpu.memref_squeeze %dma_start3A_605 : memref<1x32x128xf32, #tpu.memory_space<vmem>> -> memref<32x128xf32, #tpu.memory_space<vmem>>
        %dma_start3A_607 = arith.constant 0 : i32
        %dma_start3A_608 = tpu.memref_slice %arg2[%dma_start3A_607, %multiple_of3A_600] : memref<32x1000000xf32, #tpu.memory_space<hbm>> -> memref<32x128xf32, #tpu.memory_space<hbm>>
        %dma_start3A_609 = tpu.memref_slice %arg9[%dma_start3A_602] : memref<8x!tpu.dma_semaphore, #tpu.memory_space<semaphore_mem>> -> memref<1x!tpu.dma_semaphore, #tpu.memory_space<semaphore_mem>>
        %dma_start3A_610 = tpu.memref_squeeze %dma_start3A_609 : memref<1x!tpu.dma_semaphore, #tpu.memory_space<semaphore_mem>> -> memref<!tpu.dma_semaphore, #tpu.memory_space<semaphore_mem>>
        %dma_start3A_611 = arith.constant 0 : i32
        %dma_start3A_612 = arith.constant 0 : i32
        %dma_start3A_613 = tpu.memref_slice %arg6[%dma_start3A_601, %dma_start3A_611, %dma_start3A_612] : memref<8x32x128xf32, #tpu.memory_space<vmem>> -> memref<1x32x128xf32, #tpu.memory_space<vmem>>
        %dma_start3A_614 = tpu.memref_squeeze %dma_start3A_613 : memref<1x32x128xf32, #tpu.memory_space<vmem>> -> memref<32x128xf32, #tpu.memory_space<vmem>>
        %dma_start3A_615 = arith.constant 0 : i32
        %dma_start3A_616 = tpu.memref_slice %arg2[%dma_start3A_615, %multiple_of3A_600] : memref<32x1000000xf32, #tpu.memory_space<hbm>> -> memref<32x128xf32, #tpu.memory_space<hbm>>
        tpu.enqueue_dma source(%dma_start3A_616 : memref<32x128xf32, #tpu.memory_space<hbm>>) target(%dma_start3A_614 : memref<32x128xf32, #tpu.memory_space<vmem>>) target_semaphore(%dma_start3A_610 : memref<!tpu.dma_semaphore, #tpu.memory_space<semaphore_mem>>)
      } else {
      }
      %mul3A_543 = arith.constant 8 : i32
      %mul3A_544 = arith.muli %scan3A_219, %mul3A_543 : i32
      %add3A_545 = arith.constant 7 : i32
      %add3A_546 = arith.addi %mul3A_544, %add3A_545 : i32
      %get3A_547 = arith.index_cast %add3A_546 : i32 to index
      %get3A_548 = tpu.vector_load %arg5[%get3A_547] {strides = array<i32>} : memref<528xi32, #tpu.memory_space<vmem>>, vector<16xi32>,
      %slice3A_549 = vector.extract_strided_slice %get3A_548 {offsets = [0], sizes = [1], strides = [1]} : vector<16xi32> to vector<1xi32>
      %squeeze3A_550 = vector.extract %slice3A_549[0] : i32 from vector<1xi32>
      %dma_wait3A_551 = arith.constant 7 : i32
      %dma_wait3A_552 = arith.constant 7 : i32
      %dma_wait3A_553 = arith.constant 0 : i32
      %dma_wait3A_554 = arith.constant 0 : i32
      %dma_wait3A_555 = tpu.memref_slice %arg6[%dma_wait3A_551, %dma_wait3A_553, %dma_wait3A_554] : memref<8x32x128xf32, #tpu.memory_space<vmem>> -> memref<1x32x128xf32, #tpu.memory_space<vmem>>
      %dma_wait3A_556 = tpu.memref_squeeze %dma_wait3A_555 : memref<1x32x128xf32, #tpu.memory_space<vmem>> -> memref<32x128xf32, #tpu.memory_space<vmem>>
      %dma_wait3A_557 = arith.constant 0 : i32
      %dma_wait3A_558 = arith.constant 0 : i32
      %dma_wait3A_559 = tpu.memref_slice %arg2[%dma_wait3A_557, %dma_wait3A_558] : memref<32x1000000xf32, #tpu.memory_space<hbm>> -> memref<32x128xf32, #tpu.memory_space<hbm>>
      %dma_wait3A_560 = tpu.memref_slice %arg9[%dma_wait3A_552] : memref<8x!tpu.dma_semaphore, #tpu.memory_space<semaphore_mem>> -> memref<1x!tpu.dma_semaphore, #tpu.memory_space<semaphore_mem>>
      %dma_wait3A_561 = tpu.memref_squeeze %dma_wait3A_560 : memref<1x!tpu.dma_semaphore, #tpu.memory_space<semaphore_mem>> -> memref<!tpu.dma_semaphore, #tpu.memory_space<semaphore_mem>>
      %dma_wait3A_562 = arith.constant 0 : i32
      %dma_wait3A_563 = arith.constant 0 : i32
      %dma_wait3A_564 = tpu.memref_slice %arg6[%dma_wait3A_551, %dma_wait3A_562, %dma_wait3A_563] : memref<8x32x128xf32, #tpu.memory_space<vmem>> -> memref<1x32x128xf32, #tpu.memory_space<vmem>>
      %dma_wait3A_565 = tpu.memref_squeeze %dma_wait3A_564 : memref<1x32x128xf32, #tpu.memory_space<vmem>> -> memref<32x128xf32, #tpu.memory_space<vmem>>
      %dma_wait3A_566 = arith.constant 0 : i32
      %dma_wait3A_567 = arith.constant 0 : i32
      %dma_wait3A_568 = tpu.memref_slice %arg2[%dma_wait3A_566, %dma_wait3A_567] : memref<32x1000000xf32, #tpu.memory_space<hbm>> -> memref<32x128xf32, #tpu.memory_space<hbm>>
      tpu.wait_dma2 semaphore(%dma_wait3A_561 : memref<!tpu.dma_semaphore, #tpu.memory_space<semaphore_mem>>) src(%dma_wait3A_568 : memref<32x128xf32, #tpu.memory_space<hbm>>) dst(%dma_wait3A_565 : memref<32x128xf32, #tpu.memory_space<vmem>>)
      %broadcast_in_dim3A_569 = arith.constant 0 : i32
      %broadcast_in_dim3A_570 = vector.broadcast %broadcast_in_dim3A_569 : i32 to vector<16xi32>
      %add3A_571 = vector.broadcast %add3A_546 : i32 to vector<16xi32>
      %add3A_572 = arith.addi %broadcast_in_dim3A_570, %add3A_571 : vector<16xi32>
      %lt3A_573 = arith.constant 999936 : i32
      %lt3A_574 = arith.cmpi slt, %squeeze3A_550, %lt3A_573 : i32
      %convert_element_type3A_575 = arith.extui %lt3A_574 : i1 to i32
      %cond3A_576 = arith.constant 0 : i32
      %cond3A_577 = arith.cmpi ne, %convert_element_type3A_575, %cond3A_576 : i32
      scf.if %cond3A_577 {
        %broadcast_in_dim3A_590 = arith.constant 0 : i32
        %broadcast_in_dim3A_591 = vector.broadcast %broadcast_in_dim3A_590 : i32 to vector<16xi32>
        %shift_right_logical3A_592 = arith.constant 7 : i32
        %shift_right_logical3A_593 = arith.shrui %squeeze3A_550, %shift_right_logical3A_592 : i32
        %shift_left3A_594 = arith.constant 7 : i32
        %shift_left3A_595 = arith.shli %shift_right_logical3A_593, %shift_left3A_594 : i32
        %min3A_596 = arith.constant 999808 : i32
        %min3A_597 = arith.minsi %shift_left3A_595, %min3A_596 : i32
        %multiple_of3A_598 = tpu.assume_multiple %min3A_597, 128 : i32
        %sub3A = arith.subi %squeeze3A_550, %multiple_of3A_598 : i32
        %add3A_599 = vector.broadcast %sub3A : i32 to vector<16xi32>
        %add3A_600 = arith.addi %broadcast_in_dim3A_591, %add3A_599 : vector<16xi32>
        %gather3A = arith.constant 7 : i32
        %gather3A_601 = arith.constant 0 : i32
        %gather3A_602 = arith.constant 0 : i32
        %gather3A_603 = tpu.memref_slice %arg6[%gather3A, %gather3A_601, %gather3A_602] : memref<8x32x128xf32, #tpu.memory_space<vmem>> -> memref<1x32x128xf32, #tpu.memory_space<vmem>>
        %gather3A_604 = tpu.memref_squeeze %gather3A_603 : memref<1x32x128xf32, #tpu.memory_space<vmem>> -> memref<32x128xf32, #tpu.memory_space<vmem>>
        %gather3A_605 = tpu.vector_load_idx %gather3A_604[%iota3A, %add3A_600] : memref<32x128xf32, #tpu.memory_space<vmem>>[vector<16xi32>, vector<16xi32>], vector<16xf32>,
        %gather3A_606 = arith.constant 7 : i32
        %gather3A_607 = arith.constant 0 : i32
        %gather3A_608 = arith.constant 0 : i32
        %gather3A_609 = tpu.memref_slice %arg6[%gather3A_606, %gather3A_607, %gather3A_608] : memref<8x32x128xf32, #tpu.memory_space<vmem>> -> memref<1x32x128xf32, #tpu.memory_space<vmem>>
        %gather3A_610 = tpu.memref_squeeze %gather3A_609 : memref<1x32x128xf32, #tpu.memory_space<vmem>> -> memref<32x128xf32, #tpu.memory_space<vmem>>
        %gather3A_611 = tpu.vector_load_idx %gather3A_610[%add3A_5, %add3A_600] : memref<32x128xf32, #tpu.memory_space<vmem>>[vector<16xi32>, vector<16xi32>], vector<16xf32>,
        tpu.vector_store_idx %arg8[%iota3A, %add3A_572], %gather3A_605 : memref<32x512xf32, #tpu.memory_space<vmem>>[vector<16xi32>, vector<16xi32>], vector<16xf32>,
        tpu.vector_store_idx %arg8[%add3A_5, %add3A_572], %gather3A_611 : memref<32x512xf32, #tpu.memory_space<vmem>>[vector<16xi32>, vector<16xi32>], vector<16xf32>,
      } else {
      }
      %ge3A_578 = arith.constant 999936 : i32
      %ge3A_579 = arith.cmpi sge, %squeeze3A_550, %ge3A_578 : i32
      %convert_element_type3A_580 = arith.extui %ge3A_579 : i1 to i32
      %cond3A_581 = arith.constant 0 : i32
      %cond3A_582 = arith.cmpi ne, %convert_element_type3A_580, %cond3A_581 : i32
      scf.if %cond3A_582 {
        %broadcast_in_dim3A_590 = arith.constant 0 : i32
        %broadcast_in_dim3A_591 = vector.broadcast %broadcast_in_dim3A_590 : i32 to vector<16xi32>
        %sub3A = arith.constant 999936 : i32
        %sub3A_592 = arith.subi %squeeze3A_550, %sub3A : i32
        %add3A_593 = vector.broadcast %sub3A_592 : i32 to vector<16xi32>
        %add3A_594 = arith.addi %broadcast_in_dim3A_591, %add3A_593 : vector<16xi32>
        %gather3A = tpu.vector_load_idx %arg7[%iota3A, %add3A_594] : memref<32x64xf32, #tpu.memory_space<vmem>>[vector<16xi32>, vector<16xi32>], vector<16xf32>,
        %gather3A_595 = tpu.vector_load_idx %arg7[%add3A_5, %add3A_594] : memref<32x64xf32, #tpu.memory_space<vmem>>[vector<16xi32>, vector<16xi32>], vector<16xf32>,
        tpu.vector_store_idx %arg8[%iota3A, %add3A_572], %gather3A : memref<32x512xf32, #tpu.memory_space<vmem>>[vector<16xi32>, vector<16xi32>], vector<16xf32>,
        tpu.vector_store_idx %arg8[%add3A_5, %add3A_572], %gather3A_595 : memref<32x512xf32, #tpu.memory_space<vmem>>[vector<16xi32>, vector<16xi32>], vector<16xf32>,
      } else {
      }
      %add3A_583 = arith.constant 8 : i32
      %add3A_584 = arith.addi %add3A_546, %add3A_583 : i32
      %lt3A_585 = arith.constant 512 : i32
      %lt3A_586 = arith.cmpi slt, %add3A_584, %lt3A_585 : i32
      %convert_element_type3A_587 = arith.extui %lt3A_586 : i1 to i32
      %cond3A_588 = arith.constant 0 : i32
      %cond3A_589 = arith.cmpi ne, %convert_element_type3A_587, %cond3A_588 : i32
      scf.if %cond3A_589 {
        %get3A_590 = arith.index_cast %add3A_584 : i32 to index
        %get3A_591 = tpu.vector_load %arg5[%get3A_590] {strides = array<i32>} : memref<528xi32, #tpu.memory_space<vmem>>, vector<16xi32>,
        %slice3A_592 = vector.extract_strided_slice %get3A_591 {offsets = [0], sizes = [1], strides = [1]} : vector<16xi32> to vector<1xi32>
        %squeeze3A_593 = vector.extract %slice3A_592[0] : i32 from vector<1xi32>
        %shift_right_logical3A_594 = arith.constant 7 : i32
        %shift_right_logical3A_595 = arith.shrui %squeeze3A_593, %shift_right_logical3A_594 : i32
        %shift_left3A_596 = arith.constant 7 : i32
        %shift_left3A_597 = arith.shli %shift_right_logical3A_595, %shift_left3A_596 : i32
        %min3A_598 = arith.constant 999808 : i32
        %min3A_599 = arith.minsi %shift_left3A_597, %min3A_598 : i32
        %multiple_of3A_600 = tpu.assume_multiple %min3A_599, 128 : i32
        %dma_start3A_601 = arith.constant 7 : i32
        %dma_start3A_602 = arith.constant 7 : i32
        %dma_start3A_603 = arith.constant 0 : i32
        %dma_start3A_604 = arith.constant 0 : i32
        %dma_start3A_605 = tpu.memref_slice %arg6[%dma_start3A_601, %dma_start3A_603, %dma_start3A_604] : memref<8x32x128xf32, #tpu.memory_space<vmem>> -> memref<1x32x128xf32, #tpu.memory_space<vmem>>
        %dma_start3A_606 = tpu.memref_squeeze %dma_start3A_605 : memref<1x32x128xf32, #tpu.memory_space<vmem>> -> memref<32x128xf32, #tpu.memory_space<vmem>>
        %dma_start3A_607 = arith.constant 0 : i32
        %dma_start3A_608 = tpu.memref_slice %arg2[%dma_start3A_607, %multiple_of3A_600] : memref<32x1000000xf32, #tpu.memory_space<hbm>> -> memref<32x128xf32, #tpu.memory_space<hbm>>
        %dma_start3A_609 = tpu.memref_slice %arg9[%dma_start3A_602] : memref<8x!tpu.dma_semaphore, #tpu.memory_space<semaphore_mem>> -> memref<1x!tpu.dma_semaphore, #tpu.memory_space<semaphore_mem>>
        %dma_start3A_610 = tpu.memref_squeeze %dma_start3A_609 : memref<1x!tpu.dma_semaphore, #tpu.memory_space<semaphore_mem>> -> memref<!tpu.dma_semaphore, #tpu.memory_space<semaphore_mem>>
        %dma_start3A_611 = arith.constant 0 : i32
        %dma_start3A_612 = arith.constant 0 : i32
        %dma_start3A_613 = tpu.memref_slice %arg6[%dma_start3A_601, %dma_start3A_611, %dma_start3A_612] : memref<8x32x128xf32, #tpu.memory_space<vmem>> -> memref<1x32x128xf32, #tpu.memory_space<vmem>>
        %dma_start3A_614 = tpu.memref_squeeze %dma_start3A_613 : memref<1x32x128xf32, #tpu.memory_space<vmem>> -> memref<32x128xf32, #tpu.memory_space<vmem>>
        %dma_start3A_615 = arith.constant 0 : i32
        %dma_start3A_616 = tpu.memref_slice %arg2[%dma_start3A_615, %multiple_of3A_600] : memref<32x1000000xf32, #tpu.memory_space<hbm>> -> memref<32x128xf32, #tpu.memory_space<hbm>>
        tpu.enqueue_dma source(%dma_start3A_616 : memref<32x128xf32, #tpu.memory_space<hbm>>) target(%dma_start3A_614 : memref<32x128xf32, #tpu.memory_space<vmem>>) target_semaphore(%dma_start3A_610 : memref<!tpu.dma_semaphore, #tpu.memory_space<semaphore_mem>>)
      } else {
      }
    }
    %scan3A_218 = arith.constant 64 : i32
    "tpu.region"() ({
      %run_scoped3A = tpu.sem_alloc : memref<!tpu.dma_semaphore, #tpu.memory_space<semaphore_mem>>
      %dma_start3A_219 = arith.constant 0 : i32
      %dma_start3A_220 = tpu.memref_slice %arg4[%dma_start3A_219, %multiple_of3A] : memref<32x16384xf32, #tpu.memory_space<hbm>> -> memref<32x512xf32, #tpu.memory_space<hbm>>
      %dma_start3A_221 = arith.constant 0 : i32
      %dma_start3A_222 = tpu.memref_slice %arg4[%dma_start3A_221, %multiple_of3A] : memref<32x16384xf32, #tpu.memory_space<hbm>> -> memref<32x512xf32, #tpu.memory_space<hbm>>
      tpu.enqueue_dma source(%arg8 : memref<32x512xf32, #tpu.memory_space<vmem>>) target(%dma_start3A_222 : memref<32x512xf32, #tpu.memory_space<hbm>>) target_semaphore(%run_scoped3A : memref<!tpu.dma_semaphore, #tpu.memory_space<semaphore_mem>>)
      %dma_wait3A = arith.constant 0 : i32
      %dma_wait3A_223 = tpu.memref_slice %arg4[%dma_wait3A, %multiple_of3A] : memref<32x16384xf32, #tpu.memory_space<hbm>> -> memref<32x512xf32, #tpu.memory_space<hbm>>
      %dma_wait3A_224 = arith.constant 0 : i32
      %dma_wait3A_225 = tpu.memref_slice %arg4[%dma_wait3A_224, %multiple_of3A] : memref<32x16384xf32, #tpu.memory_space<hbm>> -> memref<32x512xf32, #tpu.memory_space<hbm>>
      tpu.wait_dma2 semaphore(%run_scoped3A : memref<!tpu.dma_semaphore, #tpu.memory_space<semaphore_mem>>) src(%arg8 : memref<32x512xf32, #tpu.memory_space<vmem>>) dst(%dma_wait3A_225 : memref<32x512xf32, #tpu.memory_space<hbm>>)
      tpu.yield
    }) : () -> ()
    return
  }
}

</mosaic_0001>

<sc_bundles>
// kernel: kernel.3.cloned.1.call-start
scs
__scs_entry_jumppad:
0x0: {  	(pc) =	sbr.rel $0x88, $3  }
0x1: {  	(tag) =	ssettag $0x0;
	lr =	simm.s32 $0x1  }
0x2: {  	[smem:$0x3F9F] =	sst lr;
	_ =	strace $0xD0000000  }
0x3: {  	_ = 	snop  }
0x4: {  	_ = 	snop  }
0x5: {  	_ = 	snop  }
0x6: {  	_ = 	snop  }
0x7: {  	_ = 	snop  }
__scs_overlays_trampoline_lowered:
0x8: {  	[smem:$0x3FAE] =	sst s0  }
0x9: {  	[smem:$0x3FAF] =	sst s1  }
0xa: {  	[smem:$0x3FB0] =	sst s2  }
0xb: {  	[smem:$0x3FB1] =	sst s3  }
0xc: {  	[smem:$0x3FB2] =	sst s4  }
0xd: {  	[smem:$0x3FB3] =	sst s5  }
0xe: {  	[smem:$0x3FB4] =	sst s6  }
0xf: {  	[smem:$0x3FB5] =	sst s7  }
0x10: {  	[smem:$0x3FB6] =	sst s8  }
0x11: {  	[smem:$0x3FB7] =	sst s9;
	s0 =	simm.s32 @!p0 $0x0  }
0x12: {  	s1 =	sld [smem:$0x3F9D];
	s0 =	simm.s32 @p0 $0x1  }
0x13: {  	[smem:$0x3FB8] =	sst s0;
	s0 =	simm.s32 @!p1 $0x0  }
0x14: {  	s2 =	sld [smem:$0x3F9C];
	s0 =	simm.s32 @p1 $0x1  }
0x15: {  	[smem:$0x3FB9] =	sst s0;
	s0 =	simm.s32 @!p2 $0x0  }
0x16: {  	s3 =	sld [smem:$0x3FDB];
	s0 =	simm.s32 @p2 $0x1  }
0x17: {  	s4 =	simm.s32 $0x1BF5;
	[smem:$0x3FBB] =	sst s0  }
0x18: {  	s0 =	sld [smem:$0x3F9E];
	_ =	swait.ge [sflag:s4], $0x0  }
0x19: {  	s7 =	sld [smem:$0x3F9F]  }
0x1a: {  	s8 =	sadd.s32 $0xFFFFE003, lr  }
0x1b: {  	s9 =	sadd.s32 $0xFFFFFEF7, lr;
	s5 =	simm.s32 $0xFFFFFFFF;
	p2 =	slt.u32 s8, $0xFFFFF086  }
0x1c: {  	p1 =	slt.u32 s9, $0xF7A;
	s5 =	simm.s32 @!p2 $0x0  }
0x1d: {  	s5 =	simm.s32 @p1 $0x1;
	p0 =	seq.s32 s7, s2  }
0x1e: {  	s7 =	smul.u32 @!p0 $0xF7A, s2;
	p2 =	seq.s32 @!p0 s5, $0x0  }
0x1f: {  	s9 =	smul.u32 $0xF7A, s1;
	s8 =	simm.s32 @!p0 $0x1BF5;
	p2 =	por !p2, p0  }
0x20: {  	[sflag:s8] =	ssyncset.s32 @!p0 $0xFFFFF086;
	s6 =	sadd.s32 @!p0 s3, s7;
	s7 =	simm.s32 @!p0 $0x108  }
0x21: {  	s3 =	sadd.s32 s3, s9;
	s6 =	sadd.s32 @!p0 $0x88, s6;
	s7 =	simm.s32 @p2 $0x1082  }
0x22: {  	[simem:s7], [sflag:s8] =	dma.local @!p0 [hbm:s6], $0xF7A  }
0x23: {  	s9 =	sor.u32 $0xD0000000, s2;
	s6 =	simm.s32 $0x108;
	_ =	swait.ge @!p0 [sflag:s8], $0x0  }
0x24: {  	s3 =	sadd.s32 $0x88, s3;
	s6 =	simm.s32 @!p1 $0x1082;
	[sflag:s4] =	ssyncset.s32 $0xFFFFF086  }
0x25: {  	[simem:s6], [sflag:s4] =	dma.local [hbm:s3], $0xF7A  }
0x26: {  	[smem:$0x3F9F] =	sst s1;
	(tag) =	ssettag s2;
	_ =	strace s9  }
0x27: {  	s1 =	sld [smem:$0x3FAF]  }
0x28: {  	s2 =	sld [smem:$0x3FB0]  }
0x29: {  	s4 =	sld [smem:$0x3FB2]  }
0x2a: {  	p0 =	seq.s32 s5, $0x0;
	s5 =	sld [smem:$0x3FB3]  }
0x2b: {  	s6 =	sld [smem:$0x3FB4]  }
0x2c: {  	s7 =	sld [smem:$0x3FB5]  }
0x2d: {  	s3 =	simm.s32 $0x108;
	s8 =	sld [smem:$0x3FB6]  }
0x2e: {  	s3 =	simm.s32 @!p0 $0x1082;
	s9 =	sld [smem:$0x3FB7]  }
0x2f: {  	lr =	sadd.s32 s0, s3;
	s0 =	sld [smem:$0x3FAE]  }
0x30: {  	s3 =	sld [smem:$0x3FB1]  }
0x31: {  	[smem:$0x3FBA] =	sst s10  }
0x32: {  	s10 =	sld [smem:$0x3FB8];
	_ =	sdelay $0x3  }
0x33: {  	p0 =	seq.s32 s10, $0x1;
	s10 =	sld [smem:$0x3FBA];
	_ =	sdelay $0x3  }
0x34: {  	[smem:$0x3FBA] =	sst s10  }
0x35: {  	s10 =	sld [smem:$0x3FB9];
	_ =	sdelay $0x3  }
0x36: {  	p1 =	seq.s32 s10, $0x1;
	s10 =	sld [smem:$0x3FBA];
	_ =	sdelay $0x3  }
0x37: {  	[smem:$0x3FBA] =	sst s10  }
0x38: {  	s10 =	sld [smem:$0x3FBB]  }
0x39: {  	_ = 	snop;
	(pc) =	sbr.ind lr, $3  }
0x3a: {  	_ = 	snop  }
0x3b: {  	_ = 	snop  }
0x3c: {  	p2 =	seq.s32 s10, $0x1;
	s10 =	sld [smem:$0x3FBA]  }
0x3d: {  	_ =	shalt  }
0x3e: {  	_ =	shalt  }
0x3f: {  	_ =	shalt  }
0x40: {  	_ =	shalt  }
0x41: {  	_ =	shalt  }
0x42: {  	_ =	shalt  }
0x43: {  	_ =	shalt  }
0x44: {  	_ =	shalt  }
0x45: {  	_ =	shalt  }
0x46: {  	_ =	shalt  }
0x47: {  	_ =	shalt  }
0x48: {  	_ =	shalt  }
0x49: {  	_ =	shalt  }
0x4a: {  	_ =	shalt  }
0x4b: {  	_ =	shalt  }
0x4c: {  	_ =	shalt  }
0x4d: {  	_ =	shalt  }
0x4e: {  	_ =	shalt  }
0x4f: {  	_ =	shalt  }
0x50: {  	_ =	shalt  }
0x51: {  	_ =	shalt  }
0x52: {  	_ =	shalt  }
0x53: {  	_ =	shalt  }
0x54: {  	_ =	shalt  }
0x55: {  	_ =	shalt  }
0x56: {  	_ =	shalt  }
0x57: {  	_ =	shalt  }
0x58: {  	_ =	shalt  }
0x59: {  	_ =	shalt  }
0x5a: {  	_ =	shalt  }
0x5b: {  	_ =	shalt  }
0x5c: {  	_ =	shalt  }
0x5d: {  	_ =	shalt  }
0x5e: {  	_ =	shalt  }
0x5f: {  	_ =	shalt  }
0x60: {  	_ =	shalt  }
0x61: {  	_ =	shalt  }
0x62: {  	_ =	shalt  }
0x63: {  	_ =	shalt  }
0x64: {  	_ =	shalt  }
0x65: {  	_ =	shalt  }
0x66: {  	_ =	shalt  }
0x67: {  	_ =	shalt  }
0x68: {  	_ =	shalt  }
0x69: {  	_ =	shalt  }
0x6a: {  	_ =	shalt  }
0x6b: {  	_ =	shalt  }
0x6c: {  	_ =	shalt  }
0x6d: {  	_ =	shalt  }
0x6e: {  	_ =	shalt  }
0x6f: {  	_ =	shalt  }
0x70: {  	_ =	shalt  }
0x71: {  	_ =	shalt  }
0x72: {  	_ =	shalt  }
0x73: {  	_ =	shalt  }
0x74: {  	_ =	shalt  }
0x75: {  	_ =	shalt  }
0x76: {  	_ =	shalt  }
0x77: {  	_ =	shalt  }
0x78: {  	_ =	shalt  }
0x79: {  	_ =	shalt  }
0x7a: {  	_ =	shalt  }
0x7b: {  	_ =	shalt  }
0x7c: {  	_ =	shalt  }
0x7d: {  	_ =	shalt  }
0x7e: {  	_ =	shalt  }
0x7f: {  	_ =	shalt  }
0x80: {  	_ =	shalt  }
0x81: {  	_ =	shalt  }
0x82: {  	_ =	shalt  }
0x83: {  	_ =	shalt  }
0x84: {  	_ =	shalt  }
0x85: {  	_ =	shalt  }
0x86: {  	_ =	shalt  }
0x87: {  	_ =	shalt  }
.Lfunc_end0:
.L_simem_size_0:
called_computation_lowered:
.L_overlay_start_0:
0x88: {  	s2 =	sld [smem:$0x3FD9]  }
0x89: {  	s3 =	sld [smem:$0x3FFE];
	_ =	sdelay $0x1  }
0x8a: {  	s1 =	srdreg.scid  }
0x8b: {  	s0 =	sand.u32 $0x1, s1  }
0x8c: {  	s18 =	sshll.u32 s0, $0xA;
	s2 =	sadd.s32 s3, s2  }
0x8d: {  	s2 =	sadd.s32 s2, s18  }
0x8e: {  	[smem:$0x3FC6] =	sst s2  }
0x8f: {  	_ = 	snop  }
0x90: {  	s2 =	sld [smem:$0x3FC9]  }
0x91: {  	s19 =	sld [smem:$0x3FC8]  }
0x92: {  	s4 =	sld [smem:$0x3FD0];
	(tm) =	ssettm $0x1  }
0x93: {  	s5 =	sld [smem:$0x3FFB];
	_ =	sdelay $0x3  }
0x94: {  	_ =	strace s5  }
0x95: {  	s5 =	sld [smem:$0x3FFC];
	_ =	sdelay $0x3  }
0x96: {  	_ =	strace s5  }
0x97: {  	s5 =	sld [smem:$0x3FFD];
	_ =	sdelay $0x3  }
0x98: {  	_ =	strace s5  }
0x99: {  	_ =	strace $0x8FFFFFFF  }
0x9a: {  	s20 =	sld [smem:$0x3FDB];
	_ =	sdelay $0x1  }
0x9b: {  	s6 =	simm.s32 $_scs_section_size  }
0x9c: {  	s7 =	simm.s32 $_size__tile_overlayer_lowered;
	s8 =	simm.s32 $_tile_overlayer_lowered  }
0x9d: {  	s23 =	simm.s32 $0x1BFF;
	s22 =	sshll.u32 s8, $0x1;
	s5 =	sadd.s32 s6, s20  }
0x9e: {  	s9 =	simm.s32 $0x0;
	s21 =	sshll.u32 s7, $0x1;
	s7 =	sadd.s32 s22, s5  }
0x9f: {  	[timem:s9], [sflag:s23] =	dma.local [hbm:s7], s21  }
0xa0: {  	_ =	swait.ge [sflag:s23], s21  }
0xa1: {  	s6 =	ssub.s32 $0x0, s21;
	[sflag:s23] =	ssyncset.done $0x0  }
0xa2: {  	[sflag:s23] =	ssyncadd.s32 s6;
	_ =	sdelay $0x1  }
0xa3: {  	s24 =	simm.s32 $0x1B8B  }
0xa4: {  	_ =	swait.ge [sflag:s24], $0x1  }
0xa5: {  	[sflag:s24] =	ssyncset.done $0x0  }
0xa6: {  	s25 =	simm.s32 $0x1B8E;
	[sflag:s24] =	ssyncadd.s32 $0xFFFFFFFF  }
0xa7: {  	s26 =	simm.s32 $execute0_lowered;
	[smem:$0x3FD2] =	sst s25  }
0xa8: {  	s6 =	sshll.u32 s26, $0x1;
	_ =	strace $0x80000046;
	[dreg:$0x1] =	wrdreg $0xFFFFFFFF  }
0xa9: {  	s28 =	simm.s32 $_size_execute0_lowered;
	s5 =	sadd.s32 s5, s6;
	[dreg:$0x0] =	wrdreg $0x0  }
0xaa: {  	s6 =	sshll.u32 s28, $0x1;
	[dreg:$0x2] =	wrdreg s5  }
0xab: {  	[dreg:$0x3] =	wrdreg s6  }
0xac: {  	[dreg:$0x4] =	wrdreg $0xC0  }
0xad: {  	_ =	task [dreg:s9], $0x5FFFF  }
0xae: {  	[dreg:$0x1] =	wrdreg $0xFFFFFFFF  }
0xaf: {  	[dreg:$0x0] =	wrdreg $0x60  }
0xb0: {  	[dreg:$0x2] =	wrdreg s19  }
0xb1: {  	[dreg:$0x3] =	wrdreg s2  }
0xb2: {  	[dreg:$0x4] =	wrdreg s4  }
0xb3: {  	[dreg:$0x5] =	wrdreg $0x9  }
0xb4: {  	_ =	task.clear_ibuf [dreg:s9], $0x6FFFF;
	_ =	strace $0x90000046  }
0xb5: {  	s29 =	simm.s32 $0x9;
	_ =	strace $0x80000048  }
0xb6: {  	_ =	swait.ge [sflag:s29], $0x1  }
0xb7: {  	[sflag:s29] =	ssyncadd.s32 $0xFFFFFFFF  }
0xb8: {  	_ =	strace $0x90000048  }
0xb9: {  	_ =	sfence  }
0xba: {  	s30 =	sld [smem:$0x0];
	_ =	sdelay $0x2  }
0xbb: {  	s31 =	sshll.u32 s1, $0xD;
	s1 =	sshrl.u32 s1, $0x2  }
0xbc: {  	s3 =	sand.u32 $0x4000, s31;
	s1 =	sadd.s32 s1, s30  }
0xbd: {  	s0 =	sor.u32 s3, s0;
	s1 =	sshll.u32 s1, $0x11  }
0xbe: {  	s0 =	sor.u32 s1, s0  }
0xbf: {  	s0 =	sadd.s32 $0x8F2B, s0  }
0xc0: {  	[sflag:s0] =	ssyncadd.remote.s32 $0x1  }
0xc1: {  	_ =	sfence.sel $0xFFFF  }
0xc2: {  	[dreg:$0x0] =	wrdreg $0xFFFFFFFF;
	(pc) =	sbr.abs _section_cstart, $3  }
0xc3: {  	[dreg:$0x1] =	wrdreg $0xFFFFFFFF  }
0xc4: {  	_ =	task.clear_ibuf [dreg:s9], $0x2FFFF;
	_ =	strace $0x9FFFFFFF  }
0xc5: {  	(tm) =	ssettm $0x7FFFFFFF  }
tec
execute0_lowered:
.L_overlay_start_1:
0x0: {  	(tag) =	ssettag $0x1  }
0x1: {  	v1 =	vimm.s32 $0x1380;
	vm0 =	vcmask $0x300  }
0x2: {  	v2 =	vimm.s32 $0x3380;
	vm1 =	vcmask $0x704;
	vm15 =	vcmask $0xB08  }
0x3: {  	s0 =	rddreg [dreg:$0x0];
	vm4 =	vcmask $0xF0C;
	v1 =	vsel vm0, $0x0, v1;
	v2 =	vsel vm0, $0x2000, v2  }
0x4: {  	s1 =	rddreg [dreg:$0x1];
	vm5 =	vcmask $0x1310;
	v1 =	vsel vm1, $0x80, v1;
	v2 =	vsel vm1, $0x2080, v2  }
0x5: {  	s2 =	srdreg.scid;
	s3 =	rddreg [dreg:$0x2];
	vm6 =	vcmask $0x1714;
	v1 =	vsel vm15, $0x100, v1;
	v2 =	vsel vm15, $0x2100, v2  }
0x6: {  	s4 =	stileid.u32;
	s7 =	simm.s32 $0x0;
	vm7 =	vcmask $0x1B18;
	s9 =	simm.s32 $0x400;
	v1 =	vsel vm4, $0x180, v1;
	v2 =	vsel vm4, $0x2180, v2  }
0x7: {  	v0 =	vlaneseq.u32;
	s10 =	simm.s32 $0x7A1400;
	s16 =	simm.s32 $0x4280;
	s17 =	simm.s32 $0x5280;
	v1 =	vsel vm5, $0x200, v1;
	v2 =	vsel vm5, $0x2200, v2  }
0x8: {  	vm8 =	vcmask $0x1F1C;
	s18 =	simm.s32 $0x6280;
	s19 =	simm.s32 $0x7280;
	s20 =	simm.s32 $0x1;
	v1 =	vsel vm6, $0x280, v1;
	v2 =	vsel vm6, $0x2280, v2  }
0x9: {  	vm9 =	vcmask $0x2320;
	s21 =	simm.s32 $0x9280;
	s22 =	simm.s32 $0x2;
	s23 =	simm.s32 $0x3;
	v1 =	vsel vm7, $0x300, v1;
	v2 =	vsel vm7, $0x2300, v2  }
0xa: {  	vm10 =	vcmask $0x2724;
	s24 =	simm.s32 $0x4;
	s25 =	simm.s32 $0x5;
	s28 =	simm.s32 $0x7;
	v1 =	vsel vm8, $0x380, v1;
	v2 =	vsel vm8, $0x2380, v2  }
0xb: {  	vm11 =	vcmask $0x2B28;
	s29 =	simm.s32 $0x8;
	s30 =	simm.s32 $0x1000;
	s31 =	simm.s32 $0x20000;
	v1 =	vsel vm9, $0x1000, v1;
	v2 =	vsel vm9, $0x3000, v2  }
0xc: {  	vm12 =	vcmask $0x2F2C;
	s2 =	sand.u32 $0x1, s2;
	s4 =	sshll.u32 s4, $0xA;
	[smem:$0x7FF] =	sst s7;
	v1 =	vsel vm10, $0x1080, v1;
	v2 =	vsel vm10, $0x3080, v2  }
.Ltmp0:
0xd: {  	vm13 =	vcmask $0x3330;
	s5 =	sshll.u32 s2, $0x9;
	s2 =	ssub.s32 $0x2, s2;
	v1 =	vsel vm11, $0x1100, v1;
	v2 =	vsel vm11, $0x3100, v2;
	(pc) =	sbr.rel .LBB2_1-.Ltmp0, $4  }
0xe: {  	vm14 =	vcmask $0x3734;
	s7 =	simm.s32 $0x9;
	s6 =	sor.u32 s5, s4;
	s26 =	sshrl.u32 s2, $0x1;
	v1 =	vsel vm12, $0x1180, v1;
	v2 =	vsel vm12, $0x3180, v2  }
0xf: {  	v0 =	vmul.u32 $0x80, v0;
	_ =	strace $0x80000047;
	s5 =	sshrl.u32 s6, $0x3;
	s2 =	ssub.s32 s2, s26;
	v1 =	vsel vm13, $0x1200, v1;
	v2 =	vsel vm13, $0x3200, v2  }
0x10: {  	vm15 =	vcmask $0x3B38;
	s6 =	sadd.s32 s3, s6;
	s26 =	simm.s32 $0x6;
	s4 =	sadd.s32 s1, s5;
	v3 =	vsel vm14, $0x1280, v1;
	v4 =	vsel vm14, $0x3280, v2  }
0x11: {  	s5 =	sadd.s32 $0xF4200, s0;
	s8 =	smax.u32 s2, $0x1;
	s2 =	simm.s32 $0x0;
	v1 =	vor.u32 $0x800, v0;
	v2 =	vsel vm15, $0x1300, v3;
	v3 =	vsel vm15, $0x3300, v4  }
.LBB2_4:
0x12: {  	s2 =	sadd.s32 $0x1, s2  }
0x13: {  	p0 =	sne.s32 s2, s8  }
.Ltmp1:
0x14: {  	_ = 	snop;
	(pc) =	sbr.rel @!p0 .LBB2_5-.Ltmp1, $4  }
0x15: {  	[hbm4b:s6+s30] =	stream.strided.scatter [tilespmem:s21], [sflag:$0x9], $0x4000, s31, s30, $0x38;
	[tilespmem:$0xD280] =	vst v63  }
0x16: {  	_ =	swait.ge [sflag:s7], $0x4000  }
0x17: {  	[sflag:s7] =	ssyncset.done $0x0  }
0x18: {  	[sflag:s7] =	ssyncadd.s32 $0xFFFFC000  }
.LBB2_1:
0x19: {  	s1 =	simm.s32 $0x0  }
0x1a: {  	[tilespmem:s1], [sflag:$0x9] =	stream.linear.gather [hbm4b:s4+s1], $0x200, $0x38;
	[tilespmem:$0xD280] =	vst v63  }
0x1b: {  	_ =	swait.ge [sflag:s7], $0x200  }
0x1c: {  	[sflag:s7] =	ssyncset.done $0x0  }
0x1d: {  	s3 =	simm.s32 $0x8280;
	[sflag:s7] =	ssyncadd.s32 $0xFFFFFE00  }
0x1e: {  	[tilespmem:s3], [sflag:$0x9] =	stream.strided.gather [hbm4b:s5+s9], $0x1000, s10, s9, $0x38;
	[tilespmem:$0xD280] =	vst v63  }
0x1f: {  	_ =	swait.ge [sflag:s7], $0x1000  }
0x20: {  	[sflag:s7] =	ssyncset.done $0x0  }
0x21: {  	[sflag:s7] =	ssyncadd.s32 $0xFFFFF000  }
0x22: {  	v4 =	vld [tilespmem:$0x0];
	_ =	sdelay $0x4  }
0x23: {  	(v2sf) =	vpush v4, $0x0;
	_ =	sdelay $0xe  }
0x24: {  	s11 =	spop (v2sf)  }
0x25: {  	s1 =	sand.u32 $0xFFFFFF80, s11  }
0x26: {  	p0 =	slt.s32 s1, $0xF4180  }
0x27: {  	s1 =	simm.s32 @!p0 $0xF4180  }
0x28: {  	s3 =	simm.s32 $0x280;
	s1 =	sadd.s32 s0, s1  }
0x29: {  	[tilespmem:s3], [sflag:$0x1] =	stream.strided.gather [hbm4b:s1+s9], $0x1000, s10, s9, $0x38;
	[tilespmem:$0xD280] =	vst v63  }
0x2a: {  	v4 =	vld [tilespmem:$0x1];
	_ =	sdelay $0x4  }
0x2b: {  	(v2sf) =	vpush v4, $0x0;
	_ =	sdelay $0xe  }
0x2c: {  	s12 =	spop (v2sf)  }
0x2d: {  	s1 =	sand.u32 $0xFFFFFF80, s12  }
0x2e: {  	p0 =	slt.s32 s1, $0xF4180  }
0x2f: {  	s1 =	simm.s32 @!p0 $0xF4180  }
0x30: {  	s13 =	simm.s32 $0x1280;
	s1 =	sadd.s32 s0, s1  }
0x31: {  	[tilespmem:s13], [sflag:$0x2] =	stream.strided.gather [hbm4b:s1+s9], $0x1000, s10, s9, $0x38;
	[tilespmem:$0xD280] =	vst v63  }
0x32: {  	v4 =	vld [tilespmem:$0x2];
	_ =	sdelay $0x4  }
0x33: {  	(v2sf) =	vpush v4, $0x0;
	_ =	sdelay $0xe  }
0x34: {  	s14 =	spop (v2sf)  }
0x35: {  	s1 =	sand.u32 $0xFFFFFF80, s14  }
0x36: {  	p0 =	slt.s32 s1, $0xF4180  }
0x37: {  	s1 =	simm.s32 @!p0 $0xF4180  }
0x38: {  	s15 =	simm.s32 $0x2280;
	s1 =	sadd.s32 s0, s1  }
0x39: {  	[tilespmem:s15], [sflag:$0x3] =	stream.strided.gather [hbm4b:s1+s9], $0x1000, s10, s9, $0x38;
	[tilespmem:$0xD280] =	vst v63  }
0x3a: {  	v4 =	vld [tilespmem:$0x3];
	_ =	sdelay $0x4  }
0x3b: {  	(v2sf) =	vpush v4, $0x0;
	_ =	sdelay $0xe  }
0x3c: {  	s3 =	spop (v2sf)  }
0x3d: {  	s1 =	sand.u32 $0xFFFFFF80, s3  }
0x3e: {  	p0 =	slt.s32 s1, $0xF4180  }
0x3f: {  	s1 =	simm.s32 @!p0 $0xF4180  }
0x40: {  	s11 =	simm.s32 $0x3280;
	s1 =	sadd.s32 s0, s1  }
0x41: {  	[tilespmem:s11], [sflag:$0x4] =	stream.strided.gather [hbm4b:s1+s9], $0x1000, s10, s9, $0x38;
	[tilespmem:$0xD280] =	vst v63  }
0x42: {  	v4 =	vld [tilespmem:$0x4];
	_ =	sdelay $0x4  }
0x43: {  	(v2sf) =	vpush v4, $0x0;
	_ =	sdelay $0xe  }
0x44: {  	s12 =	spop (v2sf)  }
0x45: {  	s1 =	sand.u32 $0xFFFFFF80, s12  }
0x46: {  	p0 =	slt.s32 s1, $0xF4180  }
0x47: {  	s1 =	simm.s32 @!p0 $0xF4180  }
0x48: {  	s1 =	sadd.s32 s0, s1  }
0x49: {  	[tilespmem:s16], [sflag:$0x5] =	stream.strided.gather [hbm4b:s1+s9], $0x1000, s10, s9, $0x38;
	[tilespmem:$0xD280] =	vst v63  }
0x4a: {  	v4 =	vld [tilespmem:$0x5];
	_ =	sdelay $0x4  }
0x4b: {  	(v2sf) =	vpush v4, $0x0;
	_ =	sdelay $0xe  }
0x4c: {  	s13 =	spop (v2sf)  }
0x4d: {  	s1 =	sand.u32 $0xFFFFFF80, s13  }
0x4e: {  	p0 =	slt.s32 s1, $0xF4180  }
0x4f: {  	s1 =	simm.s32 @!p0 $0xF4180  }
0x50: {  	s1 =	sadd.s32 s0, s1  }
0x51: {  	[tilespmem:s17], [sflag:$0x6] =	stream.strided.gather [hbm4b:s1+s9], $0x1000, s10, s9, $0x38;
	[tilespmem:$0xD280] =	vst v63  }
0x52: {  	v4 =	vld [tilespmem:$0x6];
	_ =	sdelay $0x4  }
0x53: {  	(v2sf) =	vpush v4, $0x0;
	_ =	sdelay $0xe  }
0x54: {  	s14 =	spop (v2sf)  }
0x55: {  	s1 =	sand.u32 $0xFFFFFF80, s14  }
0x56: {  	p0 =	slt.s32 s1, $0xF4180  }
0x57: {  	s1 =	simm.s32 @!p0 $0xF4180  }
0x58: {  	s1 =	sadd.s32 s0, s1  }
0x59: {  	[tilespmem:s18], [sflag:$0x7] =	stream.strided.gather [hbm4b:s1+s9], $0x1000, s10, s9, $0x38;
	[tilespmem:$0xD280] =	vst v63  }
0x5a: {  	v4 =	vld [tilespmem:$0x7];
	_ =	sdelay $0x4  }
0x5b: {  	(v2sf) =	vpush v4, $0x0;
	_ =	sdelay $0xe  }
0x5c: {  	s15 =	spop (v2sf)  }
0x5d: {  	s1 =	sand.u32 $0xFFFFFF80, s15  }
0x5e: {  	p0 =	slt.s32 s1, $0xF4180  }
0x5f: {  	s1 =	simm.s32 @!p0 $0xF4180  }
0x60: {  	s1 =	sadd.s32 s0, s1  }
0x61: {  	[tilespmem:s19], [sflag:$0x8] =	stream.strided.gather [hbm4b:s1+s9], $0x1000, s10, s9, $0x38;
	[tilespmem:$0xD280] =	vst v63  }
0x62: {  	s3 =	simm.s32 $0x7;
	s1 =	simm.s32 $0x8  }
.LBB2_2:
0x63: {  	v4 =	vld [tilespmem:s1+$0xFFFFFFF8];
	_ =	sdelay $0x4  }
0x64: {  	(v2sf) =	vpush v4, $0x0;
	_ =	sdelay $0xe  }
0x65: {  	s11 =	spop (v2sf)  }
0x66: {  	p0 =	sgt.s32 s11, $0xF41FF  }
0x67: {  	s12 =	sand.u32 @!p0 $0xFFFFFF80, s11  }
0x68: {  	p1 =	slt.s32 @!p0 s12, $0xF4180  }
0x69: {  	p1 =	por !p1, p0  }
0x6a: {  	s12 =	simm.s32 @p1 $0xF4180  }
0x6b: {  	s13 =	sadd.s32 @p0 $0xFFF0BE00, s11;
	s11 =	ssub.s32 @!p0 s11, s12  }
0x6c: {  	s11 =	smov.u32 @p0 s13  }
0x6d: {  	s14 =	sadd.s32 $0xFFFFFFF9, s3;
	v4 =	vadd.s32 s11, v0  }
0x6e: {  	v5 =	vmov s14;
	v6 =	vadd.s32 s11, v1  }
0x6f: {  	v7 =	vshll.u32 v5, $0x3;
	_ =	swait.ge [sflag:s20], $0x1000  }
0x70: {  	v5 =	vand.u32 $0x78, v5;
	v7 =	vand.u32 $0xC00, v7;
	[sflag:s20] =	ssyncset.done $0x0;
	s11 =	simm.s32 @!p0 $0x280  }
0x71: {  	v5 =	vor.u32 v5, v7;
	[sflag:s20] =	ssyncadd.s32 $0xFFFFF000;
	s11 =	simm.s32 @p0 $0x8280  }
0x72: {  	v7 =	vor.u32 v2, v5;
	v4 =	vld.idx.msk [tilespmem:v4+s11+$0x0], $0xffff  }
0x73: {  	v5 =	vor.u32 v3, v5;
	v6 =	vld.idx.msk [tilespmem:v6+s11+$0x0], $0xffff;
	_ =	sdelay $0x3  }
0x74: {  	[tilespmem:v7+s21+$0x0] =	vst.idx.msk $0xffff, v4  }
0x75: {  	p0 =	seq.s32 s3, $0x1FF;
	[tilespmem:v5+s21+$0x0] =	vst.idx.msk $0xffff, v6  }
0x76: {  	v4 =	vld @!p0 [tilespmem:s1+$0x0];
	_ =	sdelay $0x4  }
0x77: {  	(v2sf) =	vpush @!p0 v4, $0x0;
	_ =	sdelay $0xe  }
0x78: {  	s11 =	spop @!p0 (v2sf)  }
0x79: {  	s11 =	sand.u32 @!p0 $0xFFFFFF80, s11  }
0x7a: {  	p1 =	slt.s32 @!p0 s11, $0xF4180  }
0x7b: {  	p1 =	por !p1, p0  }
0x7c: {  	s12 =	simm.s32 @!p0 $0x7A1400;
	s11 =	simm.s32 @p1 $0xF4180  }
0x7d: {  	s14 =	simm.s32 @!p0 $0x280;
	s13 =	sadd.s32 @!p0 s0, s11;
	s11 =	simm.s32 @!p0 $0x400  }
0x7e: {  	[tilespmem:s14], [sflag:$0x1] =	stream.strided.gather @!p0 [hbm4b:s13+s11], $0x1000, s12, s11, $0x38;
	[tilespmem:$0xD280] =	vst v63  }
0x7f: {  	v4 =	vld [tilespmem:s1+$0xFFFFFFF9];
	_ =	sdelay $0x4  }
0x80: {  	(v2sf) =	vpush v4, $0x0;
	_ =	sdelay $0xe  }
0x81: {  	s13 =	spop (v2sf)  }
0x82: {  	p1 =	sgt.s32 s13, $0xF41FF  }
0x83: {  	s14 =	sand.u32 @!p1 $0xFFFFFF80, s13  }
0x84: {  	p2 =	slt.s32 @!p1 s14, $0xF4180  }
0x85: {  	p2 =	por !p2, p1  }
0x86: {  	s14 =	simm.s32 @p2 $0xF4180  }
0x87: {  	s15 =	sadd.s32 @p1 $0xFFF0BE00, s13;
	s13 =	ssub.s32 @!p1 s13, s14  }
0x88: {  	s13 =	smov.u32 @p1 s15  }
0x89: {  	s15 =	sadd.s32 $0xFFFFFFFA, s3;
	v4 =	vadd.s32 s13, v0  }
0x8a: {  	v5 =	vmov s15;
	v50 =	vadd.s32 s13, v1  }
0x8b: {  	_ =	swait.ge [sflag:s22], $0x1000;
	v51 =	vshll.u32 v5, $0x3  }
0x8c: {  	[sflag:s22] =	ssyncset.done $0x0;
	s13 =	simm.s32 @!p1 $0x1280;
	v5 =	vand.u32 $0x79, v5;
	v7 =	vand.u32 $0xC00, v51  }
0x8d: {  	[sflag:s22] =	ssyncadd.s32 $0xFFFFF000;
	s13 =	simm.s32 @p1 $0x8280;
	v5 =	vor.u32 v5, v7  }
0x8e: {  	v7 =	vor.u32 v2, v5;
	v4 =	vld.idx.msk [tilespmem:v4+s13+$0x0], $0xffff  }
0x8f: {  	v5 =	vor.u32 v3, v5;
	v6 =	vld.idx.msk [tilespmem:v50+s13+$0x0], $0xffff;
	_ =	sdelay $0x3  }
0x90: {  	[tilespmem:v7+s21+$0x0] =	vst.idx.msk $0xffff, v4  }
0x91: {  	[tilespmem:v5+s21+$0x0] =	vst.idx.msk $0xffff, v6  }
0x92: {  	v4 =	vld @!p0 [tilespmem:s1+$0x1];
	_ =	sdelay $0x4  }
0x93: {  	(v2sf) =	vpush @!p0 v4, $0x0;
	_ =	sdelay $0xe  }
0x94: {  	s13 =	spop @!p0 (v2sf)  }
0x95: {  	s13 =	sand.u32 @!p0 $0xFFFFFF80, s13  }
0x96: {  	p1 =	slt.s32 @!p0 s13, $0xF4180  }
0x97: {  	p1 =	por !p1, p0  }
0x98: {  	s13 =	simm.s32 @p1 $0xF4180  }
0x99: {  	s14 =	simm.s32 @!p0 $0x1280;
	s13 =	sadd.s32 @!p0 s0, s13  }
0x9a: {  	[tilespmem:s14], [sflag:$0x2] =	stream.strided.gather @!p0 [hbm4b:s13+s11], $0x1000, s12, s11, $0x38;
	[tilespmem:$0xD280] =	vst v63  }
0x9b: {  	v4 =	vld [tilespmem:s1+$0xFFFFFFFA];
	_ =	sdelay $0x4  }
0x9c: {  	(v2sf) =	vpush v4, $0x0;
	_ =	sdelay $0xe  }
0x9d: {  	s13 =	spop (v2sf)  }
0x9e: {  	p1 =	sgt.s32 s13, $0xF41FF  }
0x9f: {  	s14 =	sand.u32 @!p1 $0xFFFFFF80, s13  }
0xa0: {  	p2 =	slt.s32 @!p1 s14, $0xF4180  }
0xa1: {  	p2 =	por !p2, p1  }
0xa2: {  	s14 =	simm.s32 @p2 $0xF4180  }
0xa3: {  	s15 =	sadd.s32 @p1 $0xFFF0BE00, s13;
	s13 =	ssub.s32 @!p1 s13, s14  }
0xa4: {  	s13 =	smov.u32 @p1 s15  }
0xa5: {  	s15 =	sadd.s32 $0xFFFFFFFB, s3;
	v4 =	vadd.s32 s13, v0  }
0xa6: {  	v5 =	vmov s15;
	v52 =	vadd.s32 s13, v1  }
0xa7: {  	_ =	swait.ge [sflag:s23], $0x1000;
	v53 =	vshll.u32 v5, $0x3  }
0xa8: {  	[sflag:s23] =	ssyncset.done $0x0;
	s13 =	simm.s32 @!p1 $0x2280;
	v5 =	vand.u32 $0x7A, v5;
	v7 =	vand.u32 $0xC00, v53  }
0xa9: {  	[sflag:s23] =	ssyncadd.s32 $0xFFFFF000;
	s13 =	simm.s32 @p1 $0x8280;
	v5 =	vor.u32 v5, v7  }
0xaa: {  	v7 =	vor.u32 v2, v5;
	v4 =	vld.idx.msk [tilespmem:v4+s13+$0x0], $0xffff  }
0xab: {  	v5 =	vor.u32 v3, v5;
	v6 =	vld.idx.msk [tilespmem:v52+s13+$0x0], $0xffff;
	_ =	sdelay $0x3  }
0xac: {  	[tilespmem:v7+s21+$0x0] =	vst.idx.msk $0xffff, v4  }
0xad: {  	[tilespmem:v5+s21+$0x0] =	vst.idx.msk $0xffff, v6  }
0xae: {  	v4 =	vld @!p0 [tilespmem:s1+$0x2];
	_ =	sdelay $0x4  }
0xaf: {  	(v2sf) =	vpush @!p0 v4, $0x0;
	_ =	sdelay $0xe  }
0xb0: {  	s13 =	spop @!p0 (v2sf)  }
0xb1: {  	s13 =	sand.u32 @!p0 $0xFFFFFF80, s13  }
0xb2: {  	p1 =	slt.s32 @!p0 s13, $0xF4180  }
0xb3: {  	p1 =	por !p1, p0  }
0xb4: {  	s13 =	simm.s32 @p1 $0xF4180  }
0xb5: {  	s14 =	simm.s32 @!p0 $0x2280;
	s13 =	sadd.s32 @!p0 s0, s13  }
0xb6: {  	[tilespmem:s14], [sflag:$0x3] =	stream.strided.gather @!p0 [hbm4b:s13+s11], $0x1000, s12, s11, $0x38;
	[tilespmem:$0xD280] =	vst v63  }
0xb7: {  	v4 =	vld [tilespmem:s1+$0xFFFFFFFB];
	_ =	sdelay $0x4  }
0xb8: {  	(v2sf) =	vpush v4, $0x0;
	_ =	sdelay $0xe  }
0xb9: {  	s13 =	spop (v2sf)  }
0xba: {  	p1 =	sgt.s32 s13, $0xF41FF  }
0xbb: {  	s14 =	sand.u32 @!p1 $0xFFFFFF80, s13  }
0xbc: {  	p2 =	slt.s32 @!p1 s14, $0xF4180  }
0xbd: {  	p2 =	por !p2, p1  }
0xbe: {  	s14 =	simm.s32 @p2 $0xF4180  }
0xbf: {  	s15 =	sadd.s32 @p1 $0xFFF0BE00, s13;
	s13 =	ssub.s32 @!p1 s13, s14  }
0xc0: {  	s13 =	smov.u32 @p1 s15  }
0xc1: {  	s15 =	sadd.s32 $0xFFFFFFFC, s3;
	v4 =	vadd.s32 s13, v0  }
0xc2: {  	v5 =	vmov s15;
	v54 =	vadd.s32 s13, v1  }
0xc3: {  	_ =	swait.ge [sflag:s24], $0x1000;
	v55 =	vshll.u32 v5, $0x3  }
0xc4: {  	[sflag:s24] =	ssyncset.done $0x0;
	s13 =	simm.s32 @!p1 $0x3280;
	v5 =	vand.u32 $0x7B, v5;
	v7 =	vand.u32 $0xC00, v55  }
0xc5: {  	[sflag:s24] =	ssyncadd.s32 $0xFFFFF000;
	s13 =	simm.s32 @p1 $0x8280;
	v5 =	vor.u32 v5, v7  }
0xc6: {  	v7 =	vor.u32 v2, v5;
	v4 =	vld.idx.msk [tilespmem:v4+s13+$0x0], $0xffff  }
0xc7: {  	v5 =	vor.u32 v3, v5;
	v6 =	vld.idx.msk [tilespmem:v54+s13+$0x0], $0xffff;
	_ =	sdelay $0x3  }
0xc8: {  	[tilespmem:v7+s21+$0x0] =	vst.idx.msk $0xffff, v4  }
0xc9: {  	[tilespmem:v5+s21+$0x0] =	vst.idx.msk $0xffff, v6  }
0xca: {  	v4 =	vld @!p0 [tilespmem:s1+$0x3];
	_ =	sdelay $0x4  }
0xcb: {  	(v2sf) =	vpush @!p0 v4, $0x0;
	_ =	sdelay $0xe  }
0xcc: {  	s13 =	spop @!p0 (v2sf)  }
0xcd: {  	s13 =	sand.u32 @!p0 $0xFFFFFF80, s13  }
0xce: {  	p1 =	slt.s32 @!p0 s13, $0xF4180  }
0xcf: {  	p1 =	por !p1, p0  }
0xd0: {  	s13 =	simm.s32 @p1 $0xF4180  }
0xd1: {  	s14 =	simm.s32 @!p0 $0x3280;
	s13 =	sadd.s32 @!p0 s0, s13  }
0xd2: {  	[tilespmem:s14], [sflag:$0x4] =	stream.strided.gather @!p0 [hbm4b:s13+s11], $0x1000, s12, s11, $0x38;
	[tilespmem:$0xD280] =	vst v63  }
0xd3: {  	v4 =	vld [tilespmem:s1+$0xFFFFFFFC];
	_ =	sdelay $0x4  }
0xd4: {  	(v2sf) =	vpush v4, $0x0;
	_ =	sdelay $0xe  }
0xd5: {  	s13 =	spop (v2sf)  }
0xd6: {  	p1 =	sgt.s32 s13, $0xF41FF  }
0xd7: {  	s14 =	sand.u32 @!p1 $0xFFFFFF80, s13  }
0xd8: {  	p2 =	slt.s32 @!p1 s14, $0xF4180  }
0xd9: {  	p2 =	por !p2, p1  }
0xda: {  	s14 =	simm.s32 @p2 $0xF4180  }
0xdb: {  	s15 =	sadd.s32 @p1 $0xFFF0BE00, s13;
	s13 =	ssub.s32 @!p1 s13, s14  }
0xdc: {  	s13 =	smov.u32 @p1 s15  }
0xdd: {  	s15 =	sadd.s32 $0xFFFFFFFD, s3;
	v4 =	vadd.s32 s13, v0  }
0xde: {  	v5 =	vmov s15;
	v56 =	vadd.s32 s13, v1  }
0xdf: {  	_ =	swait.ge [sflag:s25], $0x1000;
	v57 =	vshll.u32 v5, $0x3  }
0xe0: {  	[sflag:s25] =	ssyncset.done $0x0;
	s13 =	simm.s32 @!p1 $0x4280;
	v5 =	vand.u32 $0x7C, v5;
	v7 =	vand.u32 $0xC00, v57  }
0xe1: {  	[sflag:s25] =	ssyncadd.s32 $0xFFFFF000;
	s13 =	simm.s32 @p1 $0x8280;
	v5 =	vor.u32 v5, v7  }
0xe2: {  	v7 =	vor.u32 v2, v5;
	v4 =	vld.idx.msk [tilespmem:v4+s13+$0x0], $0xffff  }
0xe3: {  	v5 =	vor.u32 v3, v5;
	v6 =	vld.idx.msk [tilespmem:v56+s13+$0x0], $0xffff;
	_ =	sdelay $0x3  }
0xe4: {  	[tilespmem:v7+s21+$0x0] =	vst.idx.msk $0xffff, v4  }
0xe5: {  	[tilespmem:v5+s21+$0x0] =	vst.idx.msk $0xffff, v6  }
0xe6: {  	v4 =	vld @!p0 [tilespmem:s1+$0x4];
	_ =	sdelay $0x4  }
0xe7: {  	(v2sf) =	vpush @!p0 v4, $0x0;
	_ =	sdelay $0xe  }
0xe8: {  	s13 =	spop @!p0 (v2sf)  }
0xe9: {  	s13 =	sand.u32 @!p0 $0xFFFFFF80, s13  }
0xea: {  	p1 =	slt.s32 @!p0 s13, $0xF4180  }
0xeb: {  	p1 =	por !p1, p0  }
0xec: {  	s13 =	simm.s32 @p1 $0xF4180  }
0xed: {  	s14 =	simm.s32 @!p0 $0x4280;
	s13 =	sadd.s32 @!p0 s0, s13  }
0xee: {  	[tilespmem:s14], [sflag:$0x5] =	stream.strided.gather @!p0 [hbm4b:s13+s11], $0x1000, s12, s11, $0x38;
	[tilespmem:$0xD280] =	vst v63  }
0xef: {  	v4 =	vld [tilespmem:s1+$0xFFFFFFFD];
	_ =	sdelay $0x4  }
0xf0: {  	(v2sf) =	vpush v4, $0x0;
	_ =	sdelay $0xe  }
0xf1: {  	s13 =	spop (v2sf)  }
0xf2: {  	p1 =	sgt.s32 s13, $0xF41FF  }
0xf3: {  	s14 =	sand.u32 @!p1 $0xFFFFFF80, s13  }
0xf4: {  	p2 =	slt.s32 @!p1 s14, $0xF4180  }
0xf5: {  	p2 =	por !p2, p1  }
0xf6: {  	s14 =	simm.s32 @p2 $0xF4180  }
0xf7: {  	s15 =	sadd.s32 @p1 $0xFFF0BE00, s13;
	s13 =	ssub.s32 @!p1 s13, s14  }
0xf8: {  	s13 =	smov.u32 @p1 s15  }
0xf9: {  	s15 =	sadd.s32 $0xFFFFFFFE, s3;
	v4 =	vadd.s32 s13, v0  }
0xfa: {  	v5 =	vmov s15;
	v58 =	vadd.s32 s13, v1  }
0xfb: {  	_ =	swait.ge [sflag:s26], $0x1000;
	v59 =	vshll.u32 v5, $0x3  }
0xfc: {  	[sflag:s26] =	ssyncset.done $0x0;
	s13 =	simm.s32 @!p1 $0x5280;
	v5 =	vand.u32 $0x7D, v5;
	v7 =	vand.u32 $0xC00, v59  }
0xfd: {  	[sflag:s26] =	ssyncadd.s32 $0xFFFFF000;
	s13 =	simm.s32 @p1 $0x8280;
	v5 =	vor.u32 v5, v7  }
0xfe: {  	v7 =	vor.u32 v2, v5;
	v4 =	vld.idx.msk [tilespmem:v4+s13+$0x0], $0xffff  }
0xff: {  	v5 =	vor.u32 v3, v5;
	v6 =	vld.idx.msk [tilespmem:v58+s13+$0x0], $0xffff;
	_ =	sdelay $0x3  }
0x100: {  	[tilespmem:v7+s21+$0x0] =	vst.idx.msk $0xffff, v4  }
0x101: {  	[tilespmem:v5+s21+$0x0] =	vst.idx.msk $0xffff, v6  }
0x102: {  	v4 =	vld @!p0 [tilespmem:s1+$0x5];
	_ =	sdelay $0x4  }
0x103: {  	(v2sf) =	vpush @!p0 v4, $0x0;
	_ =	sdelay $0xe  }
0x104: {  	s13 =	spop @!p0 (v2sf)  }
0x105: {  	s13 =	sand.u32 @!p0 $0xFFFFFF80, s13  }
0x106: {  	p1 =	slt.s32 @!p0 s13, $0xF4180  }
0x107: {  	p1 =	por !p1, p0  }
0x108: {  	s13 =	simm.s32 @p1 $0xF4180  }
0x109: {  	s14 =	simm.s32 @!p0 $0x5280;
	s13 =	sadd.s32 @!p0 s0, s13  }
0x10a: {  	[tilespmem:s14], [sflag:$0x6] =	stream.strided.gather @!p0 [hbm4b:s13+s11], $0x1000, s12, s11, $0x38;
	[tilespmem:$0xD280] =	vst v63  }
0x10b: {  	v4 =	vld [tilespmem:s1+$0xFFFFFFFE];
	_ =	sdelay $0x4  }
0x10c: {  	(v2sf) =	vpush v4, $0x0;
	_ =	sdelay $0xe  }
0x10d: {  	s13 =	spop (v2sf)  }
0x10e: {  	p1 =	sgt.s32 s13, $0xF41FF  }
0x10f: {  	s14 =	sand.u32 @!p1 $0xFFFFFF80, s13  }
0x110: {  	p2 =	slt.s32 @!p1 s14, $0xF4180  }
0x111: {  	p2 =	por !p2, p1  }
0x112: {  	s14 =	simm.s32 @p2 $0xF4180  }
0x113: {  	s15 =	sadd.s32 @p1 $0xFFF0BE00, s13;
	s13 =	ssub.s32 @!p1 s13, s14  }
0x114: {  	s13 =	smov.u32 @p1 s15  }
0x115: {  	s15 =	sadd.s32 $0xFFFFFFFF, s3;
	v4 =	vadd.s32 s13, v0  }
0x116: {  	v5 =	vmov s15;
	v60 =	vadd.s32 s13, v1  }
0x117: {  	_ =	swait.ge [sflag:s28], $0x1000;
	v61 =	vshll.u32 v5, $0x3  }
0x118: {  	[sflag:s28] =	ssyncset.done $0x0;
	s13 =	simm.s32 @!p1 $0x6280;
	v5 =	vand.u32 $0x7E, v5;
	v7 =	vand.u32 $0xC00, v61  }
0x119: {  	[sflag:s28] =	ssyncadd.s32 $0xFFFFF000;
	s13 =	simm.s32 @p1 $0x8280;
	v5 =	vor.u32 v5, v7  }
0x11a: {  	v7 =	vor.u32 v2, v5;
	v4 =	vld.idx.msk [tilespmem:v4+s13+$0x0], $0xffff  }
0x11b: {  	v5 =	vor.u32 v3, v5;
	v6 =	vld.idx.msk [tilespmem:v60+s13+$0x0], $0xffff;
	_ =	sdelay $0x3  }
0x11c: {  	[tilespmem:v7+s21+$0x0] =	vst.idx.msk $0xffff, v4  }
0x11d: {  	[tilespmem:v5+s21+$0x0] =	vst.idx.msk $0xffff, v6  }
0x11e: {  	v4 =	vld @!p0 [tilespmem:s1+$0x6];
	_ =	sdelay $0x4  }
0x11f: {  	(v2sf) =	vpush @!p0 v4, $0x0;
	_ =	sdelay $0xe  }
0x120: {  	s13 =	spop @!p0 (v2sf)  }
0x121: {  	s13 =	sand.u32 @!p0 $0xFFFFFF80, s13  }
0x122: {  	p1 =	slt.s32 @!p0 s13, $0xF4180  }
0x123: {  	p1 =	por !p1, p0  }
0x124: {  	s13 =	simm.s32 @p1 $0xF4180  }
0x125: {  	s14 =	simm.s32 @!p0 $0x6280;
	s13 =	sadd.s32 @!p0 s0, s13  }
0x126: {  	[tilespmem:s14], [sflag:$0x7] =	stream.strided.gather @!p0 [hbm4b:s13+s11], $0x1000, s12, s11, $0x38;
	[tilespmem:$0xD280] =	vst v63  }
0x127: {  	v4 =	vld [tilespmem:s1+$0xFFFFFFFF];
	_ =	sdelay $0x4  }
0x128: {  	(v2sf) =	vpush v4, $0x0;
	_ =	sdelay $0xe  }
0x129: {  	s11 =	spop (v2sf)  }
0x12a: {  	p1 =	sgt.s32 s11, $0xF41FF  }
0x12b: {  	s12 =	sand.u32 @!p1 $0xFFFFFF80, s11  }
0x12c: {  	p2 =	slt.s32 @!p1 s12, $0xF4180  }
0x12d: {  	p2 =	por !p2, p1  }
0x12e: {  	s12 =	simm.s32 @p2 $0xF4180  }
0x12f: {  	s13 =	sadd.s32 @p1 $0xFFF0BE00, s11;
	s11 =	ssub.s32 @!p1 s11, s12  }
0x130: {  	s11 =	smov.u32 @p1 s13  }
0x131: {  	v4 =	vadd.s32 s11, v0  }
0x132: {  	v5 =	vmov s3;
	v62 =	vadd.s32 s11, v1  }
0x133: {  	v63 =	vshll.u32 v5, $0x3;
	_ =	swait.ge [sflag:s29], $0x1000  }
0x134: {  	v5 =	vand.u32 $0x7F, v5;
	v7 =	vand.u32 $0xC00, v63;
	[sflag:s29] =	ssyncset.done $0x0;
	s11 =	simm.s32 @!p1 $0x7280  }
0x135: {  	v5 =	vor.u32 v5, v7;
	[sflag:s29] =	ssyncadd.s32 $0xFFFFF000;
	s11 =	simm.s32 @p1 $0x8280  }
0x136: {  	v7 =	vor.u32 v2, v5;
	v4 =	vld.idx.msk [tilespmem:v4+s11+$0x0], $0xffff  }
0x137: {  	v5 =	vor.u32 v3, v5;
	v6 =	vld.idx.msk [tilespmem:v62+s11+$0x0], $0xffff  }
.Ltmp2:
0x138: {  	_ = 	snop;
	(pc) =	sbr.rel @p0 .LBB2_4-.Ltmp2, $3  }
0x139: {  	_ =	sdelay $0x1  }
0x13a: {  	[tilespmem:v7+s21+$0x0] =	vst.idx.msk $0xffff, v4  }
0x13b: {  	[tilespmem:v5+s21+$0x0] =	vst.idx.msk $0xffff, v6  }
0x13c: {  	v4 =	vld [tilespmem:s1+$0x7];
	_ =	sdelay $0x4  }
0x13d: {  	(v2sf) =	vpush v4, $0x0;
	_ =	sdelay $0xe  }
0x13e: {  	s11 =	spop (v2sf)  }
.Ltmp3:
0x13f: {  	s11 =	sand.u32 $0xFFFFFF80, s11;
	(pc) =	sbr.rel .LBB2_2-.Ltmp3, $4  }
0x140: {  	p0 =	slt.s32 s11, $0xF4180  }
0x141: {  	s11 =	simm.s32 @!p0 $0xF4180  }
0x142: {  	s3 =	sadd.s32 $0x8, s3;
	s1 =	sadd.s32 $0x8, s1;
	s11 =	sadd.s32 s0, s11  }
0x143: {  	[tilespmem:s19], [sflag:$0x8] =	stream.strided.gather [hbm4b:s11+s9], $0x1000, s10, s9, $0x38;
	[tilespmem:$0xD280] =	vst v63  }
.LBB2_5:
0x144: {  	_ =	sfence.sel $0x180000  }
0x145: {  	[bflag:$0x0] =	sbarrier.arrive $0xFFFF  }
0x146: {  	_ =	strace $0x90000047  }
0x147: {  	s0 =	stileid.u32;
	[bflag:$0x2] =	sbarrier.arrive $0xFFFF  }
0x148: {  	p0 =	sne.s32 s0, $0x0;
	s0 =	rddreg [dreg:$0x3]  }
0x149: {  	s0 =	sadd.s32 @!p0 $0x100000, s0  }
0x14a: {  	[sflag:s0] =	ssyncadd.tile.s32 @!p0 $0x1;
	_ =	shalt  }
.Lfunc_end2:
_tile_overlayer_lowered:
.L_overlay_start_2:
0x14b: {  	(tag) =	ssettag $0x2  }
0x14c: {  	s0 =	rddreg [dreg:$0x0];
	s2 =	stileid.u32  }
0x14d: {  	s1 =	rddreg [dreg:$0x1];
	p0 =	sne.s32 s2, $0x0  }
0x14e: {  	s3 =	rddreg [dreg:$0x2];
	[bflag:$0x3] =	sbarrier.arrive $0xFFFF;
	s2 =	simm.s32 @!p0 $0x1C09  }
0x14f: {  	[timem:s3], [sflag:s2] =	dma.local @!p0 [hbm:s0], s1  }
0x150: {  	s0 =	simm.s32 @!p0 $0x9  }
0x151: {  	_ =	swait.ge @!p0 [sflag:s0], s1  }
0x152: {  	s1 =	ssub.s32 @!p0 $0x0, s1;
	[sflag:s0] =	ssyncset.done @!p0 $0x0  }
0x153: {  	[sflag:s0] =	ssyncadd.s32 @!p0 s1  }
0x154: {  	[bflag:$0x3] =	sbarrier.arrive $0xFFFF  }
0x155: {  	_ =	shalt  }

</sc_bundles>
